<compile_context>
chip_gen: v7x
topology: tpu7x:2x2x1
jax: 0.10.2.dev20260603
libtpu: 0.0.44.dev20260713+nightly
codegen_flags: <defaults>
</compile_context>

<pallas_src>
import functools

import jax
import jax.numpy as jnp
from jax import lax
from jax.experimental import pallas as pl
from jax.experimental.pallas import tpu as pltpu
from jax.experimental.pallas import tpu_sc as plsc

BATCH = 4096
HIST = 50
EMBED_DIM = 64
N = BATCH * HIST

_info = plsc.get_sparse_core_info()
NUM_CORES = _info.num_cores
NUM_SUBCORES = _info.num_subcores
NW = NUM_CORES * NUM_SUBCORES

KB = 8
CL = KB * HIST
NC = BATCH // NW // KB
G = 16
NGRP = CL // G

_mesh = plsc.VectorSubcoreMesh(core_axis_name="c", subcore_axis_name="s")


@functools.partial(
    pl.kernel,
    mesh=_mesh,
    out_type=jax.ShapeDtypeStruct((BATCH, HIST, EMBED_DIM), jnp.float32),
    scratch_types=[
        pltpu.VMEM((NC, CL), jnp.int32),
        pltpu.VMEM((2, KB, HIST, EMBED_DIM), jnp.float32),
        pltpu.SemaphoreType.DMA,
        pltpu.SemaphoreType.DMA,
        pltpu.SemaphoreType.DMA,
    ],
    compiler_params=pltpu.CompilerParams(use_tc_tiling_on_sc=True),
)
def _gather_kernel(idx_hbm, table_hbm, out_hbm, idx_v, stage_v,
                   sem_t0, sem_t1, sem_o):
    wid = lax.axis_index("s") * NUM_CORES + lax.axis_index("c")
    pltpu.sync_copy(idx_hbm.at[wid], idx_v)
    sems = (sem_t0, sem_t1)

    def fire(j, g, tb, sb):
        v = idx_v[j, pl.ds(g * G, G)]
        for l in range(G):
            i = g * G + l
            bb = (i * 5243) >> 18
            hh = i - bb * 50
            r = v[l]
            pltpu.async_copy(table_hbm.at[r >> 3, r & 7],
                             stage_v.at[sb, bb, hh], sems[tb])

    def drain(tb, sb):
        pltpu.make_async_copy(out_hbm.at[0, pl.ds(0, 16), :],
                              stage_v.at[sb, 0, pl.ds(0, 16)],
                              sems[tb]).wait()

    def chunk(j, carry):
        sb = j % 2

        @pl.when(j >= 2)
        def _():
            b0 = (wid * NC + j - 2) * KB
            prev = out_hbm.at[pl.ds(b0, KB)]
            pltpu.make_async_copy(stage_v.at[sb], prev, sem_o).wait()

        fire(j, 0, 0, sb)

        def pair(p, c2):
            for tb01 in range(2):
                g = p * 2 + tb01
                fire(j, g + 1, (tb01 + 1) % 2, sb)
                drain(tb01, sb)
            return c2

        lax.fori_loop(0, (NGRP - 1) // 2, pair, 0)
        drain(0, sb)

        b0 = (wid * NC + j) * KB
        pltpu.async_copy(stage_v.at[sb], out_hbm.at[pl.ds(b0, KB)], sem_o)
        return carry

    lax.fori_loop(0, NC, chunk, 0)
    for j in (NC - 2, NC - 1):
        b0 = (wid * NC + j) * KB
        pltpu.make_async_copy(stage_v.at[j % 2],
                              out_hbm.at[pl.ds(b0, KB)], sem_o).wait()


def kernel(x, table):
    t3 = table.reshape(125000, 8, EMBED_DIM)
    idx = x.reshape(NW, NC, CL).astype(jnp.int32)
    return _gather_kernel(idx, t3)

# --- scband reference (transcript-rebuilt; emitter-appended) ---
"""Pipeline reference for scband-glove-embedding-37168646980283 (READ-ONLY COPY).

The authoritative reference and input builder live on the scoring server;
editing this copy changes nothing except your own understanding.
"""

import jax, jax.numpy as jnp
import numpy as np

VOCAB = 1000000
EMBED_DIM = 64
BATCH = 4096
HIST = 50

def setup_inputs(seed: int = 0) -> dict:
    key = jax.random.key(seed)
    k_idx, k_tab = jax.random.split(key)
    x = jax.random.randint(k_idx, (BATCH, HIST), 0, VOCAB, dtype=jnp.int64 if jax.config.jax_enable_x64 else jnp.int32)
    table = jax.random.normal(k_tab, (VOCAB, EMBED_DIM), dtype=jnp.float32)
    return {"x": x, "table": table}

def reference(x, table):
    # GloveEmbedding.forward: a frozen embedding lookup -> table[x]
    return jnp.take(table, x, axis=0)

if __name__ == "__main__":
    import jax
    _d = setup_inputs()
    print(jax.jit(kernel)(*tuple(_d.values())))

</pallas_src>

<mosaic_0001>
#map = affine_map<(d0, d1) -> (0, 0, 0)>
module attributes {stable_mosaic.version = 14 : i64} {
  func.func @_gather_kernel(%arg0: i32, %arg1: i32, %arg2: memref<32x16x400xi32, #tpu.memory_space<hbm>>, %arg3: memref<125000x8x64xf32, #tpu.memory_space<hbm>>, %arg4: memref<4096x50x64xf32, #tpu.memory_space<hbm>>, %arg5: memref<16x400xi32, #tpu.memory_space<vmem>>, %arg6: memref<2x8x50x64xf32, #tpu.memory_space<vmem>>, %arg7: memref<!tpu.dma_semaphore, #tpu.memory_space<semaphore_mem>>, %arg8: memref<!tpu.dma_semaphore, #tpu.memory_space<semaphore_mem>>, %arg9: memref<!tpu.dma_semaphore, #tpu.memory_space<semaphore_mem>>) attributes {dimension_semantics = [#tpu.dimension_semantics<core_parallel>, #tpu.dimension_semantics<subcore_parallel>], iteration_bounds = array<i64: 2, 16>, scalar_prefetch = 0 : i64, scratch_operands = 5 : i64, tpu.core_type = #tpu.core_type<sc_vector_subcore>, window_params = [{transform_indices = #map}, {transform_indices = #map}, {transform_indices = #map}]} {
    %mul3A = arith.constant 2 : i32
    %mul3A_0 = arith.muli %arg1, %mul3A : i32
    %add3A = arith.addi %mul3A_0, %arg0 : i32
    "tpu.region"() ({
      %run_scoped3A = tpu.sem_alloc : memref<!tpu.dma_semaphore, #tpu.memory_space<semaphore_mem>>
      %dma_start3A = arith.constant 0 : i32
      %dma_start3A_51 = arith.constant 0 : i32
      %dma_start3A_52 = tpu.memref_slice %arg2[%add3A, %dma_start3A, %dma_start3A_51] : memref<32x16x400xi32, #tpu.memory_space<hbm>> -> memref<1x16x400xi32, #tpu.memory_space<hbm>>
      %dma_start3A_53 = tpu.memref_squeeze %dma_start3A_52 : memref<1x16x400xi32, #tpu.memory_space<hbm>> -> memref<16x400xi32, #tpu.memory_space<hbm>>
      %dma_start3A_54 = arith.constant 0 : i32
      %dma_start3A_55 = arith.constant 0 : i32
      %dma_start3A_56 = tpu.memref_slice %arg2[%add3A, %dma_start3A_54, %dma_start3A_55] : memref<32x16x400xi32, #tpu.memory_space<hbm>> -> memref<1x16x400xi32, #tpu.memory_space<hbm>>
      %dma_start3A_57 = tpu.memref_squeeze %dma_start3A_56 : memref<1x16x400xi32, #tpu.memory_space<hbm>> -> memref<16x400xi32, #tpu.memory_space<hbm>>
      tpu.enqueue_dma source(%dma_start3A_57 : memref<16x400xi32, #tpu.memory_space<hbm>>) target(%arg5 : memref<16x400xi32, #tpu.memory_space<vmem>>) target_semaphore(%run_scoped3A : memref<!tpu.dma_semaphore, #tpu.memory_space<semaphore_mem>>)
      %dma_wait3A_58 = arith.constant 0 : i32
      %dma_wait3A_59 = arith.constant 0 : i32
      %dma_wait3A_60 = tpu.memref_slice %arg2[%add3A, %dma_wait3A_58, %dma_wait3A_59] : memref<32x16x400xi32, #tpu.memory_space<hbm>> -> memref<1x16x400xi32, #tpu.memory_space<hbm>>
      %dma_wait3A_61 = tpu.memref_squeeze %dma_wait3A_60 : memref<1x16x400xi32, #tpu.memory_space<hbm>> -> memref<16x400xi32, #tpu.memory_space<hbm>>
      %dma_wait3A_62 = arith.constant 0 : i32
      %dma_wait3A_63 = arith.constant 0 : i32
      %dma_wait3A_64 = tpu.memref_slice %arg2[%add3A, %dma_wait3A_62, %dma_wait3A_63] : memref<32x16x400xi32, #tpu.memory_space<hbm>> -> memref<1x16x400xi32, #tpu.memory_space<hbm>>
      %dma_wait3A_65 = tpu.memref_squeeze %dma_wait3A_64 : memref<1x16x400xi32, #tpu.memory_space<hbm>> -> memref<16x400xi32, #tpu.memory_space<hbm>>
      tpu.wait_dma2 semaphore(%run_scoped3A : memref<!tpu.dma_semaphore, #tpu.memory_space<semaphore_mem>>) src(%dma_wait3A_65 : memref<16x400xi32, #tpu.memory_space<hbm>>) dst(%arg5 : memref<16x400xi32, #tpu.memory_space<vmem>>)
      tpu.yield
    }) : () -> ()
    %scan3A = arith.constant 0 : i32
    %scan3A_1 = arith.constant 0 : i32
    %scan3A_2 = arith.constant 16 : i32
    %scan3A_3 = arith.addi %scan3A_1, %scan3A_2 : i32
    %scan3A_4 = arith.constant 1 : i32
    scf.for %scan3A_51 = %scan3A_1 to %scan3A_3 step %scan3A_4  : i32 {
      %jit3A = arith.constant 2 : i32
      %eq3A = arith.constant 0 : i32
      %eq3A_52 = arith.cmpi eq, %jit3A, %eq3A : i32
      %jit3A_53 = arith.constant 1 : i32
      %select_n3A = arith.select %eq3A_52, %jit3A_53, %jit3A : i32
      %rem3A = arith.remsi %scan3A_51, %select_n3A : i32
      %ne3A = arith.constant 0 : i32
      %ne3A_54 = arith.cmpi ne, %rem3A, %ne3A : i32
      %lt3A = arith.constant 0 : i32
      %lt3A_55 = arith.cmpi slt, %rem3A, %lt3A : i32
      %lt3A_56 = arith.constant 0 : i32
      %lt3A_57 = arith.cmpi slt, %select_n3A, %lt3A_56 : i32
      %ne3A_58 = arith.xori %lt3A_55, %lt3A_57 : i1
      %and3A = arith.andi %ne3A_58, %ne3A_54 : i1
      %add3A_59 = arith.addi %rem3A, %select_n3A : i32
      %select_n3A_60 = arith.select %and3A, %add3A_59, %rem3A : i32
      %ge3A = arith.constant 2 : i32
      %ge3A_61 = arith.cmpi sge, %scan3A_51, %ge3A : i32
      %convert_element_type3A = arith.extui %ge3A_61 : i1 to i32
      %cond3A = arith.constant 0 : i32
      %cond3A_62 = arith.cmpi ne, %convert_element_type3A, %cond3A : i32
      scf.if %cond3A_62 {
        %mul3A_427 = arith.constant 16 : i32
        %mul3A_428 = arith.muli %add3A, %mul3A_427 : i32
        %add3A_429 = arith.addi %mul3A_428, %scan3A_51 : i32
        %sub3A = arith.constant 2 : i32
        %sub3A_430 = arith.subi %add3A_429, %sub3A : i32
        %mul3A_431 = arith.constant 8 : i32
        %mul3A_432 = arith.muli %sub3A_430, %mul3A_431 : i32
        %dma_wait3A_433 = arith.constant 0 : i32
        %dma_wait3A_434 = arith.constant 0 : i32
        %dma_wait3A_435 = arith.constant 0 : i32
        %dma_wait3A_436 = tpu.memref_slice %arg6[%select_n3A_60, %dma_wait3A_433, %dma_wait3A_434, %dma_wait3A_435] : memref<2x8x50x64xf32, #tpu.memory_space<vmem>> -> memref<1x8x50x64xf32, #tpu.memory_space<vmem>>
        %dma_wait3A_437 = tpu.memref_squeeze %dma_wait3A_436 : memref<1x8x50x64xf32, #tpu.memory_space<vmem>> -> memref<8x50x64xf32, #tpu.memory_space<vmem>>
        %dma_wait3A_438 = arith.constant 0 : i32
        %dma_wait3A_439 = arith.constant 0 : i32
        %dma_wait3A_440 = tpu.memref_slice %arg4[%mul3A_432, %dma_wait3A_438, %dma_wait3A_439] : memref<4096x50x64xf32, #tpu.memory_space<hbm>> -> memref<8x50x64xf32, #tpu.memory_space<hbm>>
        %dma_wait3A_441 = arith.constant 0 : i32
        %dma_wait3A_442 = arith.constant 0 : i32
        %dma_wait3A_443 = tpu.memref_slice %arg4[%mul3A_432, %dma_wait3A_441, %dma_wait3A_442] : memref<4096x50x64xf32, #tpu.memory_space<hbm>> -> memref<8x50x64xf32, #tpu.memory_space<hbm>>
        %dma_wait3A_444 = arith.constant 0 : i32
        %dma_wait3A_445 = arith.constant 0 : i32
        %dma_wait3A_446 = arith.constant 0 : i32
        %dma_wait3A_447 = tpu.memref_slice %arg6[%select_n3A_60, %dma_wait3A_444, %dma_wait3A_445, %dma_wait3A_446] : memref<2x8x50x64xf32, #tpu.memory_space<vmem>> -> memref<1x8x50x64xf32, #tpu.memory_space<vmem>>
        %dma_wait3A_448 = tpu.memref_squeeze %dma_wait3A_447 : memref<1x8x50x64xf32, #tpu.memory_space<vmem>> -> memref<8x50x64xf32, #tpu.memory_space<vmem>>
        tpu.wait_dma2 semaphore(%arg9 : memref<!tpu.dma_semaphore, #tpu.memory_space<semaphore_mem>>) src(%dma_wait3A_448 : memref<8x50x64xf32, #tpu.memory_space<vmem>>) dst(%dma_wait3A_443 : memref<8x50x64xf32, #tpu.memory_space<hbm>>)
      } else {
      }
      %get3A = arith.index_cast %scan3A_51 : i32 to index
      %get3A_63 = arith.constant 0 : index
      %get3A_64 = tpu.vector_load %arg5[%get3A, %get3A_63] {strides = array<i32>} : memref<16x400xi32, #tpu.memory_space<vmem>>, vector<1x16xi32>,
      %get3A_65 = vector.shape_cast %get3A_64 : vector<1x16xi32> to vector<16xi32>
      %slice3A = vector.extract_strided_slice %get3A_65 {offsets = [0], sizes = [1], strides = [1]} : vector<16xi32> to vector<1xi32>
      %squeeze3A = vector.extract %slice3A[0] : i32 from vector<1xi32>
      %shift_right_arithmetic3A = arith.constant 3 : i32
      %shift_right_arithmetic3A_66 = arith.shrsi %squeeze3A, %shift_right_arithmetic3A : i32
      %and3A_67 = arith.constant 7 : i32
      %and3A_68 = arith.andi %squeeze3A, %and3A_67 : i32
      %dma_start3A = arith.constant 0 : i32
      %dma_start3A_69 = arith.constant 0 : i32
      %dma_start3A_70 = arith.constant 0 : i32
      %dma_start3A_71 = tpu.memref_slice %arg6[%select_n3A_60, %dma_start3A, %dma_start3A_69, %dma_start3A_70] : memref<2x8x50x64xf32, #tpu.memory_space<vmem>> -> memref<1x1x1x64xf32, #tpu.memory_space<vmem>>
      %dma_start3A_72 = tpu.memref_squeeze %dma_start3A_71 : memref<1x1x1x64xf32, #tpu.memory_space<vmem>> -> memref<64xf32, #tpu.memory_space<vmem>>
      %dma_start3A_73 = arith.constant 0 : i32
      %dma_start3A_74 = tpu.memref_slice %arg3[%shift_right_arithmetic3A_66, %and3A_68, %dma_start3A_73] : memref<125000x8x64xf32, #tpu.memory_space<hbm>> -> memref<1x1x64xf32, #tpu.memory_space<hbm>>
      %dma_start3A_75 = tpu.memref_squeeze %dma_start3A_74 : memref<1x1x64xf32, #tpu.memory_space<hbm>> -> memref<64xf32, #tpu.memory_space<hbm>>
      %dma_start3A_76 = arith.constant 0 : i32
      %dma_start3A_77 = tpu.memref_slice %arg6[%select_n3A_60, %dma_start3A, %dma_start3A_69, %dma_start3A_76] : memref<2x8x50x64xf32, #tpu.memory_space<vmem>> -> memref<1x1x1x64xf32, #tpu.memory_space<vmem>>
      %dma_start3A_78 = tpu.memref_squeeze %dma_start3A_77 : memref<1x1x1x64xf32, #tpu.memory_space<vmem>> -> memref<64xf32, #tpu.memory_space<vmem>>
      %dma_start3A_79 = arith.constant 0 : i32
      %dma_start3A_80 = tpu.memref_slice %arg3[%shift_right_arithmetic3A_66, %and3A_68, %dma_start3A_79] : memref<125000x8x64xf32, #tpu.memory_space<hbm>> -> memref<1x1x64xf32, #tpu.memory_space<hbm>>
      %dma_start3A_81 = tpu.memref_squeeze %dma_start3A_80 : memref<1x1x64xf32, #tpu.memory_space<hbm>> -> memref<64xf32, #tpu.memory_space<hbm>>
      tpu.enqueue_dma source(%dma_start3A_81 : memref<64xf32, #tpu.memory_space<hbm>>) target(%dma_start3A_78 : memref<64xf32, #tpu.memory_space<vmem>>) target_semaphore(%arg7 : memref<!tpu.dma_semaphore, #tpu.memory_space<semaphore_mem>>)
      %slice3A_82 = vector.extract_strided_slice %get3A_65 {offsets = [1], sizes = [1], strides = [1]} : vector<16xi32> to vector<1xi32>
      %squeeze3A_83 = vector.extract %slice3A_82[0] : i32 from vector<1xi32>
      %shift_right_arithmetic3A_84 = arith.constant 3 : i32
      %shift_right_arithmetic3A_85 = arith.shrsi %squeeze3A_83, %shift_right_arithmetic3A_84 : i32
      %and3A_86 = arith.constant 7 : i32
      %and3A_87 = arith.andi %squeeze3A_83, %and3A_86 : i32
      %dma_start3A_88 = arith.constant 0 : i32
      %dma_start3A_89 = arith.constant 1 : i32
      %dma_start3A_90 = arith.constant 0 : i32
      %dma_start3A_91 = tpu.memref_slice %arg6[%select_n3A_60, %dma_start3A_88, %dma_start3A_89, %dma_start3A_90] : memref<2x8x50x64xf32, #tpu.memory_space<vmem>> -> memref<1x1x1x64xf32, #tpu.memory_space<vmem>>
      %dma_start3A_92 = tpu.memref_squeeze %dma_start3A_91 : memref<1x1x1x64xf32, #tpu.memory_space<vmem>> -> memref<64xf32, #tpu.memory_space<vmem>>
      %dma_start3A_93 = arith.constant 0 : i32
      %dma_start3A_94 = tpu.memref_slice %arg3[%shift_right_arithmetic3A_85, %and3A_87, %dma_start3A_93] : memref<125000x8x64xf32, #tpu.memory_space<hbm>> -> memref<1x1x64xf32, #tpu.memory_space<hbm>>
      %dma_start3A_95 = tpu.memref_squeeze %dma_start3A_94 : memref<1x1x64xf32, #tpu.memory_space<hbm>> -> memref<64xf32, #tpu.memory_space<hbm>>
      %dma_start3A_96 = arith.constant 0 : i32
      %dma_start3A_97 = tpu.memref_slice %arg6[%select_n3A_60, %dma_start3A_88, %dma_start3A_89, %dma_start3A_96] : memref<2x8x50x64xf32, #tpu.memory_space<vmem>> -> memref<1x1x1x64xf32, #tpu.memory_space<vmem>>
      %dma_start3A_98 = tpu.memref_squeeze %dma_start3A_97 : memref<1x1x1x64xf32, #tpu.memory_space<vmem>> -> memref<64xf32, #tpu.memory_space<vmem>>
      %dma_start3A_99 = arith.constant 0 : i32
      %dma_start3A_100 = tpu.memref_slice %arg3[%shift_right_arithmetic3A_85, %and3A_87, %dma_start3A_99] : memref<125000x8x64xf32, #tpu.memory_space<hbm>> -> memref<1x1x64xf32, #tpu.memory_space<hbm>>
      %dma_start3A_101 = tpu.memref_squeeze %dma_start3A_100 : memref<1x1x64xf32, #tpu.memory_space<hbm>> -> memref<64xf32, #tpu.memory_space<hbm>>
      tpu.enqueue_dma source(%dma_start3A_101 : memref<64xf32, #tpu.memory_space<hbm>>) target(%dma_start3A_98 : memref<64xf32, #tpu.memory_space<vmem>>) target_semaphore(%arg7 : memref<!tpu.dma_semaphore, #tpu.memory_space<semaphore_mem>>)
      %slice3A_102 = vector.extract_strided_slice %get3A_65 {offsets = [2], sizes = [1], strides = [1]} : vector<16xi32> to vector<1xi32>
      %squeeze3A_103 = vector.extract %slice3A_102[0] : i32 from vector<1xi32>
      %shift_right_arithmetic3A_104 = arith.constant 3 : i32
      %shift_right_arithmetic3A_105 = arith.shrsi %squeeze3A_103, %shift_right_arithmetic3A_104 : i32
      %and3A_106 = arith.constant 7 : i32
      %and3A_107 = arith.andi %squeeze3A_103, %and3A_106 : i32
      %dma_start3A_108 = arith.constant 0 : i32
      %dma_start3A_109 = arith.constant 2 : i32
      %dma_start3A_110 = arith.constant 0 : i32
      %dma_start3A_111 = tpu.memref_slice %arg6[%select_n3A_60, %dma_start3A_108, %dma_start3A_109, %dma_start3A_110] : memref<2x8x50x64xf32, #tpu.memory_space<vmem>> -> memref<1x1x1x64xf32, #tpu.memory_space<vmem>>
      %dma_start3A_112 = tpu.memref_squeeze %dma_start3A_111 : memref<1x1x1x64xf32, #tpu.memory_space<vmem>> -> memref<64xf32, #tpu.memory_space<vmem>>
      %dma_start3A_113 = arith.constant 0 : i32
      %dma_start3A_114 = tpu.memref_slice %arg3[%shift_right_arithmetic3A_105, %and3A_107, %dma_start3A_113] : memref<125000x8x64xf32, #tpu.memory_space<hbm>> -> memref<1x1x64xf32, #tpu.memory_space<hbm>>
      %dma_start3A_115 = tpu.memref_squeeze %dma_start3A_114 : memref<1x1x64xf32, #tpu.memory_space<hbm>> -> memref<64xf32, #tpu.memory_space<hbm>>
      %dma_start3A_116 = arith.constant 0 : i32
      %dma_start3A_117 = tpu.memref_slice %arg6[%select_n3A_60, %dma_start3A_108, %dma_start3A_109, %dma_start3A_116] : memref<2x8x50x64xf32, #tpu.memory_space<vmem>> -> memref<1x1x1x64xf32, #tpu.memory_space<vmem>>
      %dma_start3A_118 = tpu.memref_squeeze %dma_start3A_117 : memref<1x1x1x64xf32, #tpu.memory_space<vmem>> -> memref<64xf32, #tpu.memory_space<vmem>>
      %dma_start3A_119 = arith.constant 0 : i32
      %dma_start3A_120 = tpu.memref_slice %arg3[%shift_right_arithmetic3A_105, %and3A_107, %dma_start3A_119] : memref<125000x8x64xf32, #tpu.memory_space<hbm>> -> memref<1x1x64xf32, #tpu.memory_space<hbm>>
      %dma_start3A_121 = tpu.memref_squeeze %dma_start3A_120 : memref<1x1x64xf32, #tpu.memory_space<hbm>> -> memref<64xf32, #tpu.memory_space<hbm>>
      tpu.enqueue_dma source(%dma_start3A_121 : memref<64xf32, #tpu.memory_space<hbm>>) target(%dma_start3A_118 : memref<64xf32, #tpu.memory_space<vmem>>) target_semaphore(%arg7 : memref<!tpu.dma_semaphore, #tpu.memory_space<semaphore_mem>>)
      %slice3A_122 = vector.extract_strided_slice %get3A_65 {offsets = [3], sizes = [1], strides = [1]} : vector<16xi32> to vector<1xi32>
      %squeeze3A_123 = vector.extract %slice3A_122[0] : i32 from vector<1xi32>
      %shift_right_arithmetic3A_124 = arith.constant 3 : i32
      %shift_right_arithmetic3A_125 = arith.shrsi %squeeze3A_123, %shift_right_arithmetic3A_124 : i32
      %and3A_126 = arith.constant 7 : i32
      %and3A_127 = arith.andi %squeeze3A_123, %and3A_126 : i32
      %dma_start3A_128 = arith.constant 0 : i32
      %dma_start3A_129 = arith.constant 3 : i32
      %dma_start3A_130 = arith.constant 0 : i32
      %dma_start3A_131 = tpu.memref_slice %arg6[%select_n3A_60, %dma_start3A_128, %dma_start3A_129, %dma_start3A_130] : memref<2x8x50x64xf32, #tpu.memory_space<vmem>> -> memref<1x1x1x64xf32, #tpu.memory_space<vmem>>
      %dma_start3A_132 = tpu.memref_squeeze %dma_start3A_131 : memref<1x1x1x64xf32, #tpu.memory_space<vmem>> -> memref<64xf32, #tpu.memory_space<vmem>>
      %dma_start3A_133 = arith.constant 0 : i32
      %dma_start3A_134 = tpu.memref_slice %arg3[%shift_right_arithmetic3A_125, %and3A_127, %dma_start3A_133] : memref<125000x8x64xf32, #tpu.memory_space<hbm>> -> memref<1x1x64xf32, #tpu.memory_space<hbm>>
      %dma_start3A_135 = tpu.memref_squeeze %dma_start3A_134 : memref<1x1x64xf32, #tpu.memory_space<hbm>> -> memref<64xf32, #tpu.memory_space<hbm>>
      %dma_start3A_136 = arith.constant 0 : i32
      %dma_start3A_137 = tpu.memref_slice %arg6[%select_n3A_60, %dma_start3A_128, %dma_start3A_129, %dma_start3A_136] : memref<2x8x50x64xf32, #tpu.memory_space<vmem>> -> memref<1x1x1x64xf32, #tpu.memory_space<vmem>>
      %dma_start3A_138 = tpu.memref_squeeze %dma_start3A_137 : memref<1x1x1x64xf32, #tpu.memory_space<vmem>> -> memref<64xf32, #tpu.memory_space<vmem>>
      %dma_start3A_139 = arith.constant 0 : i32
      %dma_start3A_140 = tpu.memref_slice %arg3[%shift_right_arithmetic3A_125, %and3A_127, %dma_start3A_139] : memref<125000x8x64xf32, #tpu.memory_space<hbm>> -> memref<1x1x64xf32, #tpu.memory_space<hbm>>
      %dma_start3A_141 = tpu.memref_squeeze %dma_start3A_140 : memref<1x1x64xf32, #tpu.memory_space<hbm>> -> memref<64xf32, #tpu.memory_space<hbm>>
      tpu.enqueue_dma source(%dma_start3A_141 : memref<64xf32, #tpu.memory_space<hbm>>) target(%dma_start3A_138 : memref<64xf32, #tpu.memory_space<vmem>>) target_semaphore(%arg7 : memref<!tpu.dma_semaphore, #tpu.memory_space<semaphore_mem>>)
      %slice3A_142 = vector.extract_strided_slice %get3A_65 {offsets = [4], sizes = [1], strides = [1]} : vector<16xi32> to vector<1xi32>
      %squeeze3A_143 = vector.extract %slice3A_142[0] : i32 from vector<1xi32>
      %shift_right_arithmetic3A_144 = arith.constant 3 : i32
      %shift_right_arithmetic3A_145 = arith.shrsi %squeeze3A_143, %shift_right_arithmetic3A_144 : i32
      %and3A_146 = arith.constant 7 : i32
      %and3A_147 = arith.andi %squeeze3A_143, %and3A_146 : i32
      %dma_start3A_148 = arith.constant 0 : i32
      %dma_start3A_149 = arith.constant 4 : i32
      %dma_start3A_150 = arith.constant 0 : i32
      %dma_start3A_151 = tpu.memref_slice %arg6[%select_n3A_60, %dma_start3A_148, %dma_start3A_149, %dma_start3A_150] : memref<2x8x50x64xf32, #tpu.memory_space<vmem>> -> memref<1x1x1x64xf32, #tpu.memory_space<vmem>>
      %dma_start3A_152 = tpu.memref_squeeze %dma_start3A_151 : memref<1x1x1x64xf32, #tpu.memory_space<vmem>> -> memref<64xf32, #tpu.memory_space<vmem>>
      %dma_start3A_153 = arith.constant 0 : i32
      %dma_start3A_154 = tpu.memref_slice %arg3[%shift_right_arithmetic3A_145, %and3A_147, %dma_start3A_153] : memref<125000x8x64xf32, #tpu.memory_space<hbm>> -> memref<1x1x64xf32, #tpu.memory_space<hbm>>
      %dma_start3A_155 = tpu.memref_squeeze %dma_start3A_154 : memref<1x1x64xf32, #tpu.memory_space<hbm>> -> memref<64xf32, #tpu.memory_space<hbm>>
      %dma_start3A_156 = arith.constant 0 : i32
      %dma_start3A_157 = tpu.memref_slice %arg6[%select_n3A_60, %dma_start3A_148, %dma_start3A_149, %dma_start3A_156] : memref<2x8x50x64xf32, #tpu.memory_space<vmem>> -> memref<1x1x1x64xf32, #tpu.memory_space<vmem>>
      %dma_start3A_158 = tpu.memref_squeeze %dma_start3A_157 : memref<1x1x1x64xf32, #tpu.memory_space<vmem>> -> memref<64xf32, #tpu.memory_space<vmem>>
      %dma_start3A_159 = arith.constant 0 : i32
      %dma_start3A_160 = tpu.memref_slice %arg3[%shift_right_arithmetic3A_145, %and3A_147, %dma_start3A_159] : memref<125000x8x64xf32, #tpu.memory_space<hbm>> -> memref<1x1x64xf32, #tpu.memory_space<hbm>>
      %dma_start3A_161 = tpu.memref_squeeze %dma_start3A_160 : memref<1x1x64xf32, #tpu.memory_space<hbm>> -> memref<64xf32, #tpu.memory_space<hbm>>
      tpu.enqueue_dma source(%dma_start3A_161 : memref<64xf32, #tpu.memory_space<hbm>>) target(%dma_start3A_158 : memref<64xf32, #tpu.memory_space<vmem>>) target_semaphore(%arg7 : memref<!tpu.dma_semaphore, #tpu.memory_space<semaphore_mem>>)
      %slice3A_162 = vector.extract_strided_slice %get3A_65 {offsets = [5], sizes = [1], strides = [1]} : vector<16xi32> to vector<1xi32>
      %squeeze3A_163 = vector.extract %slice3A_162[0] : i32 from vector<1xi32>
      %shift_right_arithmetic3A_164 = arith.constant 3 : i32
      %shift_right_arithmetic3A_165 = arith.shrsi %squeeze3A_163, %shift_right_arithmetic3A_164 : i32
      %and3A_166 = arith.constant 7 : i32
      %and3A_167 = arith.andi %squeeze3A_163, %and3A_166 : i32
      %dma_start3A_168 = arith.constant 0 : i32
      %dma_start3A_169 = arith.constant 5 : i32
      %dma_start3A_170 = arith.constant 0 : i32
      %dma_start3A_171 = tpu.memref_slice %arg6[%select_n3A_60, %dma_start3A_168, %dma_start3A_169, %dma_start3A_170] : memref<2x8x50x64xf32, #tpu.memory_space<vmem>> -> memref<1x1x1x64xf32, #tpu.memory_space<vmem>>
      %dma_start3A_172 = tpu.memref_squeeze %dma_start3A_171 : memref<1x1x1x64xf32, #tpu.memory_space<vmem>> -> memref<64xf32, #tpu.memory_space<vmem>>
      %dma_start3A_173 = arith.constant 0 : i32
      %dma_start3A_174 = tpu.memref_slice %arg3[%shift_right_arithmetic3A_165, %and3A_167, %dma_start3A_173] : memref<125000x8x64xf32, #tpu.memory_space<hbm>> -> memref<1x1x64xf32, #tpu.memory_space<hbm>>
      %dma_start3A_175 = tpu.memref_squeeze %dma_start3A_174 : memref<1x1x64xf32, #tpu.memory_space<hbm>> -> memref<64xf32, #tpu.memory_space<hbm>>
      %dma_start3A_176 = arith.constant 0 : i32
      %dma_start3A_177 = tpu.memref_slice %arg6[%select_n3A_60, %dma_start3A_168, %dma_start3A_169, %dma_start3A_176] : memref<2x8x50x64xf32, #tpu.memory_space<vmem>> -> memref<1x1x1x64xf32, #tpu.memory_space<vmem>>
      %dma_start3A_178 = tpu.memref_squeeze %dma_start3A_177 : memref<1x1x1x64xf32, #tpu.memory_space<vmem>> -> memref<64xf32, #tpu.memory_space<vmem>>
      %dma_start3A_179 = arith.constant 0 : i32
      %dma_start3A_180 = tpu.memref_slice %arg3[%shift_right_arithmetic3A_165, %and3A_167, %dma_start3A_179] : memref<125000x8x64xf32, #tpu.memory_space<hbm>> -> memref<1x1x64xf32, #tpu.memory_space<hbm>>
      %dma_start3A_181 = tpu.memref_squeeze %dma_start3A_180 : memref<1x1x64xf32, #tpu.memory_space<hbm>> -> memref<64xf32, #tpu.memory_space<hbm>>
      tpu.enqueue_dma source(%dma_start3A_181 : memref<64xf32, #tpu.memory_space<hbm>>) target(%dma_start3A_178 : memref<64xf32, #tpu.memory_space<vmem>>) target_semaphore(%arg7 : memref<!tpu.dma_semaphore, #tpu.memory_space<semaphore_mem>>)
      %slice3A_182 = vector.extract_strided_slice %get3A_65 {offsets = [6], sizes = [1], strides = [1]} : vector<16xi32> to vector<1xi32>
      %squeeze3A_183 = vector.extract %slice3A_182[0] : i32 from vector<1xi32>
      %shift_right_arithmetic3A_184 = arith.constant 3 : i32
      %shift_right_arithmetic3A_185 = arith.shrsi %squeeze3A_183, %shift_right_arithmetic3A_184 : i32
      %and3A_186 = arith.constant 7 : i32
      %and3A_187 = arith.andi %squeeze3A_183, %and3A_186 : i32
      %dma_start3A_188 = arith.constant 0 : i32
      %dma_start3A_189 = arith.constant 6 : i32
      %dma_start3A_190 = arith.constant 0 : i32
      %dma_start3A_191 = tpu.memref_slice %arg6[%select_n3A_60, %dma_start3A_188, %dma_start3A_189, %dma_start3A_190] : memref<2x8x50x64xf32, #tpu.memory_space<vmem>> -> memref<1x1x1x64xf32, #tpu.memory_space<vmem>>
      %dma_start3A_192 = tpu.memref_squeeze %dma_start3A_191 : memref<1x1x1x64xf32, #tpu.memory_space<vmem>> -> memref<64xf32, #tpu.memory_space<vmem>>
      %dma_start3A_193 = arith.constant 0 : i32
      %dma_start3A_194 = tpu.memref_slice %arg3[%shift_right_arithmetic3A_185, %and3A_187, %dma_start3A_193] : memref<125000x8x64xf32, #tpu.memory_space<hbm>> -> memref<1x1x64xf32, #tpu.memory_space<hbm>>
      %dma_start3A_195 = tpu.memref_squeeze %dma_start3A_194 : memref<1x1x64xf32, #tpu.memory_space<hbm>> -> memref<64xf32, #tpu.memory_space<hbm>>
      %dma_start3A_196 = arith.constant 0 : i32
      %dma_start3A_197 = tpu.memref_slice %arg6[%select_n3A_60, %dma_start3A_188, %dma_start3A_189, %dma_start3A_196] : memref<2x8x50x64xf32, #tpu.memory_space<vmem>> -> memref<1x1x1x64xf32, #tpu.memory_space<vmem>>
      %dma_start3A_198 = tpu.memref_squeeze %dma_start3A_197 : memref<1x1x1x64xf32, #tpu.memory_space<vmem>> -> memref<64xf32, #tpu.memory_space<vmem>>
      %dma_start3A_199 = arith.constant 0 : i32
      %dma_start3A_200 = tpu.memref_slice %arg3[%shift_right_arithmetic3A_185, %and3A_187, %dma_start3A_199] : memref<125000x8x64xf32, #tpu.memory_space<hbm>> -> memref<1x1x64xf32, #tpu.memory_space<hbm>>
      %dma_start3A_201 = tpu.memref_squeeze %dma_start3A_200 : memref<1x1x64xf32, #tpu.memory_space<hbm>> -> memref<64xf32, #tpu.memory_space<hbm>>
      tpu.enqueue_dma source(%dma_start3A_201 : memref<64xf32, #tpu.memory_space<hbm>>) target(%dma_start3A_198 : memref<64xf32, #tpu.memory_space<vmem>>) target_semaphore(%arg7 : memref<!tpu.dma_semaphore, #tpu.memory_space<semaphore_mem>>)
      %slice3A_202 = vector.extract_strided_slice %get3A_65 {offsets = [7], sizes = [1], strides = [1]} : vector<16xi32> to vector<1xi32>
      %squeeze3A_203 = vector.extract %slice3A_202[0] : i32 from vector<1xi32>
      %shift_right_arithmetic3A_204 = arith.constant 3 : i32
      %shift_right_arithmetic3A_205 = arith.shrsi %squeeze3A_203, %shift_right_arithmetic3A_204 : i32
      %and3A_206 = arith.constant 7 : i32
      %and3A_207 = arith.andi %squeeze3A_203, %and3A_206 : i32
      %dma_start3A_208 = arith.constant 0 : i32
      %dma_start3A_209 = arith.constant 7 : i32
      %dma_start3A_210 = arith.constant 0 : i32
      %dma_start3A_211 = tpu.memref_slice %arg6[%select_n3A_60, %dma_start3A_208, %dma_start3A_209, %dma_start3A_210] : memref<2x8x50x64xf32, #tpu.memory_space<vmem>> -> memref<1x1x1x64xf32, #tpu.memory_space<vmem>>
      %dma_start3A_212 = tpu.memref_squeeze %dma_start3A_211 : memref<1x1x1x64xf32, #tpu.memory_space<vmem>> -> memref<64xf32, #tpu.memory_space<vmem>>
      %dma_start3A_213 = arith.constant 0 : i32
      %dma_start3A_214 = tpu.memref_slice %arg3[%shift_right_arithmetic3A_205, %and3A_207, %dma_start3A_213] : memref<125000x8x64xf32, #tpu.memory_space<hbm>> -> memref<1x1x64xf32, #tpu.memory_space<hbm>>
      %dma_start3A_215 = tpu.memref_squeeze %dma_start3A_214 : memref<1x1x64xf32, #tpu.memory_space<hbm>> -> memref<64xf32, #tpu.memory_space<hbm>>
      %dma_start3A_216 = arith.constant 0 : i32
      %dma_start3A_217 = tpu.memref_slice %arg6[%select_n3A_60, %dma_start3A_208, %dma_start3A_209, %dma_start3A_216] : memref<2x8x50x64xf32, #tpu.memory_space<vmem>> -> memref<1x1x1x64xf32, #tpu.memory_space<vmem>>
      %dma_start3A_218 = tpu.memref_squeeze %dma_start3A_217 : memref<1x1x1x64xf32, #tpu.memory_space<vmem>> -> memref<64xf32, #tpu.memory_space<vmem>>
      %dma_start3A_219 = arith.constant 0 : i32
      %dma_start3A_220 = tpu.memref_slice %arg3[%shift_right_arithmetic3A_205, %and3A_207, %dma_start3A_219] : memref<125000x8x64xf32, #tpu.memory_space<hbm>> -> memref<1x1x64xf32, #tpu.memory_space<hbm>>
      %dma_start3A_221 = tpu.memref_squeeze %dma_start3A_220 : memref<1x1x64xf32, #tpu.memory_space<hbm>> -> memref<64xf32, #tpu.memory_space<hbm>>
      tpu.enqueue_dma source(%dma_start3A_221 : memref<64xf32, #tpu.memory_space<hbm>>) target(%dma_start3A_218 : memref<64xf32, #tpu.memory_space<vmem>>) target_semaphore(%arg7 : memref<!tpu.dma_semaphore, #tpu.memory_space<semaphore_mem>>)
      %slice3A_222 = vector.extract_strided_slice %get3A_65 {offsets = [8], sizes = [1], strides = [1]} : vector<16xi32> to vector<1xi32>
      %squeeze3A_223 = vector.extract %slice3A_222[0] : i32 from vector<1xi32>
      %shift_right_arithmetic3A_224 = arith.constant 3 : i32
      %shift_right_arithmetic3A_225 = arith.shrsi %squeeze3A_223, %shift_right_arithmetic3A_224 : i32
      %and3A_226 = arith.constant 7 : i32
      %and3A_227 = arith.andi %squeeze3A_223, %and3A_226 : i32
      %dma_start3A_228 = arith.constant 0 : i32
      %dma_start3A_229 = arith.constant 8 : i32
      %dma_start3A_230 = arith.constant 0 : i32
      %dma_start3A_231 = tpu.memref_slice %arg6[%select_n3A_60, %dma_start3A_228, %dma_start3A_229, %dma_start3A_230] : memref<2x8x50x64xf32, #tpu.memory_space<vmem>> -> memref<1x1x1x64xf32, #tpu.memory_space<vmem>>
      %dma_start3A_232 = tpu.memref_squeeze %dma_start3A_231 : memref<1x1x1x64xf32, #tpu.memory_space<vmem>> -> memref<64xf32, #tpu.memory_space<vmem>>
      %dma_start3A_233 = arith.constant 0 : i32
      %dma_start3A_234 = tpu.memref_slice %arg3[%shift_right_arithmetic3A_225, %and3A_227, %dma_start3A_233] : memref<125000x8x64xf32, #tpu.memory_space<hbm>> -> memref<1x1x64xf32, #tpu.memory_space<hbm>>
      %dma_start3A_235 = tpu.memref_squeeze %dma_start3A_234 : memref<1x1x64xf32, #tpu.memory_space<hbm>> -> memref<64xf32, #tpu.memory_space<hbm>>
      %dma_start3A_236 = arith.constant 0 : i32
      %dma_start3A_237 = tpu.memref_slice %arg6[%select_n3A_60, %dma_start3A_228, %dma_start3A_229, %dma_start3A_236] : memref<2x8x50x64xf32, #tpu.memory_space<vmem>> -> memref<1x1x1x64xf32, #tpu.memory_space<vmem>>
      %dma_start3A_238 = tpu.memref_squeeze %dma_start3A_237 : memref<1x1x1x64xf32, #tpu.memory_space<vmem>> -> memref<64xf32, #tpu.memory_space<vmem>>
      %dma_start3A_239 = arith.constant 0 : i32
      %dma_start3A_240 = tpu.memref_slice %arg3[%shift_right_arithmetic3A_225, %and3A_227, %dma_start3A_239] : memref<125000x8x64xf32, #tpu.memory_space<hbm>> -> memref<1x1x64xf32, #tpu.memory_space<hbm>>
      %dma_start3A_241 = tpu.memref_squeeze %dma_start3A_240 : memref<1x1x64xf32, #tpu.memory_space<hbm>> -> memref<64xf32, #tpu.memory_space<hbm>>
      tpu.enqueue_dma source(%dma_start3A_241 : memref<64xf32, #tpu.memory_space<hbm>>) target(%dma_start3A_238 : memref<64xf32, #tpu.memory_space<vmem>>) target_semaphore(%arg7 : memref<!tpu.dma_semaphore, #tpu.memory_space<semaphore_mem>>)
      %slice3A_242 = vector.extract_strided_slice %get3A_65 {offsets = [9], sizes = [1], strides = [1]} : vector<16xi32> to vector<1xi32>
      %squeeze3A_243 = vector.extract %slice3A_242[0] : i32 from vector<1xi32>
      %shift_right_arithmetic3A_244 = arith.constant 3 : i32
      %shift_right_arithmetic3A_245 = arith.shrsi %squeeze3A_243, %shift_right_arithmetic3A_244 : i32
      %and3A_246 = arith.constant 7 : i32
      %and3A_247 = arith.andi %squeeze3A_243, %and3A_246 : i32
      %dma_start3A_248 = arith.constant 0 : i32
      %dma_start3A_249 = arith.constant 9 : i32
      %dma_start3A_250 = arith.constant 0 : i32
      %dma_start3A_251 = tpu.memref_slice %arg6[%select_n3A_60, %dma_start3A_248, %dma_start3A_249, %dma_start3A_250] : memref<2x8x50x64xf32, #tpu.memory_space<vmem>> -> memref<1x1x1x64xf32, #tpu.memory_space<vmem>>
      %dma_start3A_252 = tpu.memref_squeeze %dma_start3A_251 : memref<1x1x1x64xf32, #tpu.memory_space<vmem>> -> memref<64xf32, #tpu.memory_space<vmem>>
      %dma_start3A_253 = arith.constant 0 : i32
      %dma_start3A_254 = tpu.memref_slice %arg3[%shift_right_arithmetic3A_245, %and3A_247, %dma_start3A_253] : memref<125000x8x64xf32, #tpu.memory_space<hbm>> -> memref<1x1x64xf32, #tpu.memory_space<hbm>>
      %dma_start3A_255 = tpu.memref_squeeze %dma_start3A_254 : memref<1x1x64xf32, #tpu.memory_space<hbm>> -> memref<64xf32, #tpu.memory_space<hbm>>
      %dma_start3A_256 = arith.constant 0 : i32
      %dma_start3A_257 = tpu.memref_slice %arg6[%select_n3A_60, %dma_start3A_248, %dma_start3A_249, %dma_start3A_256] : memref<2x8x50x64xf32, #tpu.memory_space<vmem>> -> memref<1x1x1x64xf32, #tpu.memory_space<vmem>>
      %dma_start3A_258 = tpu.memref_squeeze %dma_start3A_257 : memref<1x1x1x64xf32, #tpu.memory_space<vmem>> -> memref<64xf32, #tpu.memory_space<vmem>>
      %dma_start3A_259 = arith.constant 0 : i32
      %dma_start3A_260 = tpu.memref_slice %arg3[%shift_right_arithmetic3A_245, %and3A_247, %dma_start3A_259] : memref<125000x8x64xf32, #tpu.memory_space<hbm>> -> memref<1x1x64xf32, #tpu.memory_space<hbm>>
      %dma_start3A_261 = tpu.memref_squeeze %dma_start3A_260 : memref<1x1x64xf32, #tpu.memory_space<hbm>> -> memref<64xf32, #tpu.memory_space<hbm>>
      tpu.enqueue_dma source(%dma_start3A_261 : memref<64xf32, #tpu.memory_space<hbm>>) target(%dma_start3A_258 : memref<64xf32, #tpu.memory_space<vmem>>) target_semaphore(%arg7 : memref<!tpu.dma_semaphore, #tpu.memory_space<semaphore_mem>>)
      %slice3A_262 = vector.extract_strided_slice %get3A_65 {offsets = [10], sizes = [1], strides = [1]} : vector<16xi32> to vector<1xi32>
      %squeeze3A_263 = vector.extract %slice3A_262[0] : i32 from vector<1xi32>
      %shift_right_arithmetic3A_264 = arith.constant 3 : i32
      %shift_right_arithmetic3A_265 = arith.shrsi %squeeze3A_263, %shift_right_arithmetic3A_264 : i32
      %and3A_266 = arith.constant 7 : i32
      %and3A_267 = arith.andi %squeeze3A_263, %and3A_266 : i32
      %dma_start3A_268 = arith.constant 0 : i32
      %dma_start3A_269 = arith.constant 10 : i32
      %dma_start3A_270 = arith.constant 0 : i32
      %dma_start3A_271 = tpu.memref_slice %arg6[%select_n3A_60, %dma_start3A_268, %dma_start3A_269, %dma_start3A_270] : memref<2x8x50x64xf32, #tpu.memory_space<vmem>> -> memref<1x1x1x64xf32, #tpu.memory_space<vmem>>
      %dma_start3A_272 = tpu.memref_squeeze %dma_start3A_271 : memref<1x1x1x64xf32, #tpu.memory_space<vmem>> -> memref<64xf32, #tpu.memory_space<vmem>>
      %dma_start3A_273 = arith.constant 0 : i32
      %dma_start3A_274 = tpu.memref_slice %arg3[%shift_right_arithmetic3A_265, %and3A_267, %dma_start3A_273] : memref<125000x8x64xf32, #tpu.memory_space<hbm>> -> memref<1x1x64xf32, #tpu.memory_space<hbm>>
      %dma_start3A_275 = tpu.memref_squeeze %dma_start3A_274 : memref<1x1x64xf32, #tpu.memory_space<hbm>> -> memref<64xf32, #tpu.memory_space<hbm>>
      %dma_start3A_276 = arith.constant 0 : i32
      %dma_start3A_277 = tpu.memref_slice %arg6[%select_n3A_60, %dma_start3A_268, %dma_start3A_269, %dma_start3A_276] : memref<2x8x50x64xf32, #tpu.memory_space<vmem>> -> memref<1x1x1x64xf32, #tpu.memory_space<vmem>>
      %dma_start3A_278 = tpu.memref_squeeze %dma_start3A_277 : memref<1x1x1x64xf32, #tpu.memory_space<vmem>> -> memref<64xf32, #tpu.memory_space<vmem>>
      %dma_start3A_279 = arith.constant 0 : i32
      %dma_start3A_280 = tpu.memref_slice %arg3[%shift_right_arithmetic3A_265, %and3A_267, %dma_start3A_279] : memref<125000x8x64xf32, #tpu.memory_space<hbm>> -> memref<1x1x64xf32, #tpu.memory_space<hbm>>
      %dma_start3A_281 = tpu.memref_squeeze %dma_start3A_280 : memref<1x1x64xf32, #tpu.memory_space<hbm>> -> memref<64xf32, #tpu.memory_space<hbm>>
      tpu.enqueue_dma source(%dma_start3A_281 : memref<64xf32, #tpu.memory_space<hbm>>) target(%dma_start3A_278 : memref<64xf32, #tpu.memory_space<vmem>>) target_semaphore(%arg7 : memref<!tpu.dma_semaphore, #tpu.memory_space<semaphore_mem>>)
      %slice3A_282 = vector.extract_strided_slice %get3A_65 {offsets = [11], sizes = [1], strides = [1]} : vector<16xi32> to vector<1xi32>
      %squeeze3A_283 = vector.extract %slice3A_282[0] : i32 from vector<1xi32>
      %shift_right_arithmetic3A_284 = arith.constant 3 : i32
      %shift_right_arithmetic3A_285 = arith.shrsi %squeeze3A_283, %shift_right_arithmetic3A_284 : i32
      %and3A_286 = arith.constant 7 : i32
      %and3A_287 = arith.andi %squeeze3A_283, %and3A_286 : i32
      %dma_start3A_288 = arith.constant 0 : i32
      %dma_start3A_289 = arith.constant 11 : i32
      %dma_start3A_290 = arith.constant 0 : i32
      %dma_start3A_291 = tpu.memref_slice %arg6[%select_n3A_60, %dma_start3A_288, %dma_start3A_289, %dma_start3A_290] : memref<2x8x50x64xf32, #tpu.memory_space<vmem>> -> memref<1x1x1x64xf32, #tpu.memory_space<vmem>>
      %dma_start3A_292 = tpu.memref_squeeze %dma_start3A_291 : memref<1x1x1x64xf32, #tpu.memory_space<vmem>> -> memref<64xf32, #tpu.memory_space<vmem>>
      %dma_start3A_293 = arith.constant 0 : i32
      %dma_start3A_294 = tpu.memref_slice %arg3[%shift_right_arithmetic3A_285, %and3A_287, %dma_start3A_293] : memref<125000x8x64xf32, #tpu.memory_space<hbm>> -> memref<1x1x64xf32, #tpu.memory_space<hbm>>
      %dma_start3A_295 = tpu.memref_squeeze %dma_start3A_294 : memref<1x1x64xf32, #tpu.memory_space<hbm>> -> memref<64xf32, #tpu.memory_space<hbm>>
      %dma_start3A_296 = arith.constant 0 : i32
      %dma_start3A_297 = tpu.memref_slice %arg6[%select_n3A_60, %dma_start3A_288, %dma_start3A_289, %dma_start3A_296] : memref<2x8x50x64xf32, #tpu.memory_space<vmem>> -> memref<1x1x1x64xf32, #tpu.memory_space<vmem>>
      %dma_start3A_298 = tpu.memref_squeeze %dma_start3A_297 : memref<1x1x1x64xf32, #tpu.memory_space<vmem>> -> memref<64xf32, #tpu.memory_space<vmem>>
      %dma_start3A_299 = arith.constant 0 : i32
      %dma_start3A_300 = tpu.memref_slice %arg3[%shift_right_arithmetic3A_285, %and3A_287, %dma_start3A_299] : memref<125000x8x64xf32, #tpu.memory_space<hbm>> -> memref<1x1x64xf32, #tpu.memory_space<hbm>>
      %dma_start3A_301 = tpu.memref_squeeze %dma_start3A_300 : memref<1x1x64xf32, #tpu.memory_space<hbm>> -> memref<64xf32, #tpu.memory_space<hbm>>
      tpu.enqueue_dma source(%dma_start3A_301 : memref<64xf32, #tpu.memory_space<hbm>>) target(%dma_start3A_298 : memref<64xf32, #tpu.memory_space<vmem>>) target_semaphore(%arg7 : memref<!tpu.dma_semaphore, #tpu.memory_space<semaphore_mem>>)
      %slice3A_302 = vector.extract_strided_slice %get3A_65 {offsets = [12], sizes = [1], strides = [1]} : vector<16xi32> to vector<1xi32>
      %squeeze3A_303 = vector.extract %slice3A_302[0] : i32 from vector<1xi32>
      %shift_right_arithmetic3A_304 = arith.constant 3 : i32
      %shift_right_arithmetic3A_305 = arith.shrsi %squeeze3A_303, %shift_right_arithmetic3A_304 : i32
      %and3A_306 = arith.constant 7 : i32
      %and3A_307 = arith.andi %squeeze3A_303, %and3A_306 : i32
      %dma_start3A_308 = arith.constant 0 : i32
      %dma_start3A_309 = arith.constant 12 : i32
      %dma_start3A_310 = arith.constant 0 : i32
      %dma_start3A_311 = tpu.memref_slice %arg6[%select_n3A_60, %dma_start3A_308, %dma_start3A_309, %dma_start3A_310] : memref<2x8x50x64xf32, #tpu.memory_space<vmem>> -> memref<1x1x1x64xf32, #tpu.memory_space<vmem>>
      %dma_start3A_312 = tpu.memref_squeeze %dma_start3A_311 : memref<1x1x1x64xf32, #tpu.memory_space<vmem>> -> memref<64xf32, #tpu.memory_space<vmem>>
      %dma_start3A_313 = arith.constant 0 : i32
      %dma_start3A_314 = tpu.memref_slice %arg3[%shift_right_arithmetic3A_305, %and3A_307, %dma_start3A_313] : memref<125000x8x64xf32, #tpu.memory_space<hbm>> -> memref<1x1x64xf32, #tpu.memory_space<hbm>>
      %dma_start3A_315 = tpu.memref_squeeze %dma_start3A_314 : memref<1x1x64xf32, #tpu.memory_space<hbm>> -> memref<64xf32, #tpu.memory_space<hbm>>
      %dma_start3A_316 = arith.constant 0 : i32
      %dma_start3A_317 = tpu.memref_slice %arg6[%select_n3A_60, %dma_start3A_308, %dma_start3A_309, %dma_start3A_316] : memref<2x8x50x64xf32, #tpu.memory_space<vmem>> -> memref<1x1x1x64xf32, #tpu.memory_space<vmem>>
      %dma_start3A_318 = tpu.memref_squeeze %dma_start3A_317 : memref<1x1x1x64xf32, #tpu.memory_space<vmem>> -> memref<64xf32, #tpu.memory_space<vmem>>
      %dma_start3A_319 = arith.constant 0 : i32
      %dma_start3A_320 = tpu.memref_slice %arg3[%shift_right_arithmetic3A_305, %and3A_307, %dma_start3A_319] : memref<125000x8x64xf32, #tpu.memory_space<hbm>> -> memref<1x1x64xf32, #tpu.memory_space<hbm>>
      %dma_start3A_321 = tpu.memref_squeeze %dma_start3A_320 : memref<1x1x64xf32, #tpu.memory_space<hbm>> -> memref<64xf32, #tpu.memory_space<hbm>>
      tpu.enqueue_dma source(%dma_start3A_321 : memref<64xf32, #tpu.memory_space<hbm>>) target(%dma_start3A_318 : memref<64xf32, #tpu.memory_space<vmem>>) target_semaphore(%arg7 : memref<!tpu.dma_semaphore, #tpu.memory_space<semaphore_mem>>)
      %slice3A_322 = vector.extract_strided_slice %get3A_65 {offsets = [13], sizes = [1], strides = [1]} : vector<16xi32> to vector<1xi32>
      %squeeze3A_323 = vector.extract %slice3A_322[0] : i32 from vector<1xi32>
      %shift_right_arithmetic3A_324 = arith.constant 3 : i32
      %shift_right_arithmetic3A_325 = arith.shrsi %squeeze3A_323, %shift_right_arithmetic3A_324 : i32
      %and3A_326 = arith.constant 7 : i32
      %and3A_327 = arith.andi %squeeze3A_323, %and3A_326 : i32
      %dma_start3A_328 = arith.constant 0 : i32
      %dma_start3A_329 = arith.constant 13 : i32
      %dma_start3A_330 = arith.constant 0 : i32
      %dma_start3A_331 = tpu.memref_slice %arg6[%select_n3A_60, %dma_start3A_328, %dma_start3A_329, %dma_start3A_330] : memref<2x8x50x64xf32, #tpu.memory_space<vmem>> -> memref<1x1x1x64xf32, #tpu.memory_space<vmem>>
      %dma_start3A_332 = tpu.memref_squeeze %dma_start3A_331 : memref<1x1x1x64xf32, #tpu.memory_space<vmem>> -> memref<64xf32, #tpu.memory_space<vmem>>
      %dma_start3A_333 = arith.constant 0 : i32
      %dma_start3A_334 = tpu.memref_slice %arg3[%shift_right_arithmetic3A_325, %and3A_327, %dma_start3A_333] : memref<125000x8x64xf32, #tpu.memory_space<hbm>> -> memref<1x1x64xf32, #tpu.memory_space<hbm>>
      %dma_start3A_335 = tpu.memref_squeeze %dma_start3A_334 : memref<1x1x64xf32, #tpu.memory_space<hbm>> -> memref<64xf32, #tpu.memory_space<hbm>>
      %dma_start3A_336 = arith.constant 0 : i32
      %dma_start3A_337 = tpu.memref_slice %arg6[%select_n3A_60, %dma_start3A_328, %dma_start3A_329, %dma_start3A_336] : memref<2x8x50x64xf32, #tpu.memory_space<vmem>> -> memref<1x1x1x64xf32, #tpu.memory_space<vmem>>
      %dma_start3A_338 = tpu.memref_squeeze %dma_start3A_337 : memref<1x1x1x64xf32, #tpu.memory_space<vmem>> -> memref<64xf32, #tpu.memory_space<vmem>>
      %dma_start3A_339 = arith.constant 0 : i32
      %dma_start3A_340 = tpu.memref_slice %arg3[%shift_right_arithmetic3A_325, %and3A_327, %dma_start3A_339] : memref<125000x8x64xf32, #tpu.memory_space<hbm>> -> memref<1x1x64xf32, #tpu.memory_space<hbm>>
      %dma_start3A_341 = tpu.memref_squeeze %dma_start3A_340 : memref<1x1x64xf32, #tpu.memory_space<hbm>> -> memref<64xf32, #tpu.memory_space<hbm>>
      tpu.enqueue_dma source(%dma_start3A_341 : memref<64xf32, #tpu.memory_space<hbm>>) target(%dma_start3A_338 : memref<64xf32, #tpu.memory_space<vmem>>) target_semaphore(%arg7 : memref<!tpu.dma_semaphore, #tpu.memory_space<semaphore_mem>>)
      %slice3A_342 = vector.extract_strided_slice %get3A_65 {offsets = [14], sizes = [1], strides = [1]} : vector<16xi32> to vector<1xi32>
      %squeeze3A_343 = vector.extract %slice3A_342[0] : i32 from vector<1xi32>
      %shift_right_arithmetic3A_344 = arith.constant 3 : i32
      %shift_right_arithmetic3A_345 = arith.shrsi %squeeze3A_343, %shift_right_arithmetic3A_344 : i32
      %and3A_346 = arith.constant 7 : i32
      %and3A_347 = arith.andi %squeeze3A_343, %and3A_346 : i32
      %dma_start3A_348 = arith.constant 0 : i32
      %dma_start3A_349 = arith.constant 14 : i32
      %dma_start3A_350 = arith.constant 0 : i32
      %dma_start3A_351 = tpu.memref_slice %arg6[%select_n3A_60, %dma_start3A_348, %dma_start3A_349, %dma_start3A_350] : memref<2x8x50x64xf32, #tpu.memory_space<vmem>> -> memref<1x1x1x64xf32, #tpu.memory_space<vmem>>
      %dma_start3A_352 = tpu.memref_squeeze %dma_start3A_351 : memref<1x1x1x64xf32, #tpu.memory_space<vmem>> -> memref<64xf32, #tpu.memory_space<vmem>>
      %dma_start3A_353 = arith.constant 0 : i32
      %dma_start3A_354 = tpu.memref_slice %arg3[%shift_right_arithmetic3A_345, %and3A_347, %dma_start3A_353] : memref<125000x8x64xf32, #tpu.memory_space<hbm>> -> memref<1x1x64xf32, #tpu.memory_space<hbm>>
      %dma_start3A_355 = tpu.memref_squeeze %dma_start3A_354 : memref<1x1x64xf32, #tpu.memory_space<hbm>> -> memref<64xf32, #tpu.memory_space<hbm>>
      %dma_start3A_356 = arith.constant 0 : i32
      %dma_start3A_357 = tpu.memref_slice %arg6[%select_n3A_60, %dma_start3A_348, %dma_start3A_349, %dma_start3A_356] : memref<2x8x50x64xf32, #tpu.memory_space<vmem>> -> memref<1x1x1x64xf32, #tpu.memory_space<vmem>>
      %dma_start3A_358 = tpu.memref_squeeze %dma_start3A_357 : memref<1x1x1x64xf32, #tpu.memory_space<vmem>> -> memref<64xf32, #tpu.memory_space<vmem>>
      %dma_start3A_359 = arith.constant 0 : i32
      %dma_start3A_360 = tpu.memref_slice %arg3[%shift_right_arithmetic3A_345, %and3A_347, %dma_start3A_359] : memref<125000x8x64xf32, #tpu.memory_space<hbm>> -> memref<1x1x64xf32, #tpu.memory_space<hbm>>
      %dma_start3A_361 = tpu.memref_squeeze %dma_start3A_360 : memref<1x1x64xf32, #tpu.memory_space<hbm>> -> memref<64xf32, #tpu.memory_space<hbm>>
      tpu.enqueue_dma source(%dma_start3A_361 : memref<64xf32, #tpu.memory_space<hbm>>) target(%dma_start3A_358 : memref<64xf32, #tpu.memory_space<vmem>>) target_semaphore(%arg7 : memref<!tpu.dma_semaphore, #tpu.memory_space<semaphore_mem>>)
      %slice3A_362 = vector.extract_strided_slice %get3A_65 {offsets = [15], sizes = [1], strides = [1]} : vector<16xi32> to vector<1xi32>
      %squeeze3A_363 = vector.extract %slice3A_362[0] : i32 from vector<1xi32>
      %shift_right_arithmetic3A_364 = arith.constant 3 : i32
      %shift_right_arithmetic3A_365 = arith.shrsi %squeeze3A_363, %shift_right_arithmetic3A_364 : i32
      %and3A_366 = arith.constant 7 : i32
      %and3A_367 = arith.andi %squeeze3A_363, %and3A_366 : i32
      %dma_start3A_368 = arith.constant 0 : i32
      %dma_start3A_369 = arith.constant 15 : i32
      %dma_start3A_370 = arith.constant 0 : i32
      %dma_start3A_371 = tpu.memref_slice %arg6[%select_n3A_60, %dma_start3A_368, %dma_start3A_369, %dma_start3A_370] : memref<2x8x50x64xf32, #tpu.memory_space<vmem>> -> memref<1x1x1x64xf32, #tpu.memory_space<vmem>>
      %dma_start3A_372 = tpu.memref_squeeze %dma_start3A_371 : memref<1x1x1x64xf32, #tpu.memory_space<vmem>> -> memref<64xf32, #tpu.memory_space<vmem>>
      %dma_start3A_373 = arith.constant 0 : i32
      %dma_start3A_374 = tpu.memref_slice %arg3[%shift_right_arithmetic3A_365, %and3A_367, %dma_start3A_373] : memref<125000x8x64xf32, #tpu.memory_space<hbm>> -> memref<1x1x64xf32, #tpu.memory_space<hbm>>
      %dma_start3A_375 = tpu.memref_squeeze %dma_start3A_374 : memref<1x1x64xf32, #tpu.memory_space<hbm>> -> memref<64xf32, #tpu.memory_space<hbm>>
      %dma_start3A_376 = arith.constant 0 : i32
      %dma_start3A_377 = tpu.memref_slice %arg6[%select_n3A_60, %dma_start3A_368, %dma_start3A_369, %dma_start3A_376] : memref<2x8x50x64xf32, #tpu.memory_space<vmem>> -> memref<1x1x1x64xf32, #tpu.memory_space<vmem>>
      %dma_start3A_378 = tpu.memref_squeeze %dma_start3A_377 : memref<1x1x1x64xf32, #tpu.memory_space<vmem>> -> memref<64xf32, #tpu.memory_space<vmem>>
      %dma_start3A_379 = arith.constant 0 : i32
      %dma_start3A_380 = tpu.memref_slice %arg3[%shift_right_arithmetic3A_365, %and3A_367, %dma_start3A_379] : memref<125000x8x64xf32, #tpu.memory_space<hbm>> -> memref<1x1x64xf32, #tpu.memory_space<hbm>>
      %dma_start3A_381 = tpu.memref_squeeze %dma_start3A_380 : memref<1x1x64xf32, #tpu.memory_space<hbm>> -> memref<64xf32, #tpu.memory_space<hbm>>
      tpu.enqueue_dma source(%dma_start3A_381 : memref<64xf32, #tpu.memory_space<hbm>>) target(%dma_start3A_378 : memref<64xf32, #tpu.memory_space<vmem>>) target_semaphore(%arg7 : memref<!tpu.dma_semaphore, #tpu.memory_space<semaphore_mem>>)
      %scan3A_382 = arith.constant 0 : i32
      %scan3A_383 = arith.constant 0 : i32
      %scan3A_384 = arith.constant 12 : i32
      %scan3A_385 = arith.addi %scan3A_383, %scan3A_384 : i32
      %scan3A_386 = arith.constant 1 : i32
      scf.for %scan3A_427 = %scan3A_383 to %scan3A_385 step %scan3A_386  : i32 {
        %mul3A_428 = arith.constant 2 : i32
        %mul3A_429 = arith.muli %scan3A_427, %mul3A_428 : i32
        %add3A_430 = arith.constant 0 : i32
        %add3A_431 = arith.addi %mul3A_429, %add3A_430 : i32
        %add3A_432 = arith.constant 1 : i32
        %add3A_433 = arith.addi %add3A_431, %add3A_432 : i32
        %mul3A_434 = arith.constant 16 : i32
        %mul3A_435 = arith.muli %add3A_433, %mul3A_434 : i32
        %get3A_436 = arith.index_cast %scan3A_51 : i32 to index
        %get3A_437 = arith.index_cast %mul3A_435 : i32 to index
        %get3A_438 = tpu.vector_load %arg5[%get3A_436, %get3A_437] {strides = array<i32>} : memref<16x400xi32, #tpu.memory_space<vmem>>, vector<1x16xi32>,
        %get3A_439 = vector.shape_cast %get3A_438 : vector<1x16xi32> to vector<16xi32>
        %mul3A_440 = arith.constant 16 : i32
        %mul3A_441 = arith.muli %add3A_433, %mul3A_440 : i32
        %add3A_442 = arith.constant 0 : i32
        %add3A_443 = arith.addi %mul3A_441, %add3A_442 : i32
        %mul3A_444 = arith.constant 5243 : i32
        %mul3A_445 = arith.muli %add3A_443, %mul3A_444 : i32
        %shift_right_arithmetic3A_446 = arith.constant 18 : i32
        %shift_right_arithmetic3A_447 = arith.shrsi %mul3A_445, %shift_right_arithmetic3A_446 : i32
        %mul3A_448 = arith.constant 50 : i32
        %mul3A_449 = arith.muli %shift_right_arithmetic3A_447, %mul3A_448 : i32
        %sub3A = arith.subi %add3A_443, %mul3A_449 : i32
        %slice3A_450 = vector.extract_strided_slice %get3A_439 {offsets = [0], sizes = [1], strides = [1]} : vector<16xi32> to vector<1xi32>
        %squeeze3A_451 = vector.extract %slice3A_450[0] : i32 from vector<1xi32>
        %shift_right_arithmetic3A_452 = arith.constant 3 : i32
        %shift_right_arithmetic3A_453 = arith.shrsi %squeeze3A_451, %shift_right_arithmetic3A_452 : i32
        %and3A_454 = arith.constant 7 : i32
        %and3A_455 = arith.andi %squeeze3A_451, %and3A_454 : i32
        %dma_start3A_456 = arith.constant 0 : i32
        %dma_start3A_457 = tpu.memref_slice %arg6[%select_n3A_60, %shift_right_arithmetic3A_447, %sub3A, %dma_start3A_456] : memref<2x8x50x64xf32, #tpu.memory_space<vmem>> -> memref<1x1x1x64xf32, #tpu.memory_space<vmem>>
        %dma_start3A_458 = tpu.memref_squeeze %dma_start3A_457 : memref<1x1x1x64xf32, #tpu.memory_space<vmem>> -> memref<64xf32, #tpu.memory_space<vmem>>
        %dma_start3A_459 = arith.constant 0 : i32
        %dma_start3A_460 = tpu.memref_slice %arg3[%shift_right_arithmetic3A_453, %and3A_455, %dma_start3A_459] : memref<125000x8x64xf32, #tpu.memory_space<hbm>> -> memref<1x1x64xf32, #tpu.memory_space<hbm>>
        %dma_start3A_461 = tpu.memref_squeeze %dma_start3A_460 : memref<1x1x64xf32, #tpu.memory_space<hbm>> -> memref<64xf32, #tpu.memory_space<hbm>>
        %dma_start3A_462 = arith.constant 0 : i32
        %dma_start3A_463 = tpu.memref_slice %arg6[%select_n3A_60, %shift_right_arithmetic3A_447, %sub3A, %dma_start3A_462] : memref<2x8x50x64xf32, #tpu.memory_space<vmem>> -> memref<1x1x1x64xf32, #tpu.memory_space<vmem>>
        %dma_start3A_464 = tpu.memref_squeeze %dma_start3A_463 : memref<1x1x1x64xf32, #tpu.memory_space<vmem>> -> memref<64xf32, #tpu.memory_space<vmem>>
        %dma_start3A_465 = arith.constant 0 : i32
        %dma_start3A_466 = tpu.memref_slice %arg3[%shift_right_arithmetic3A_453, %and3A_455, %dma_start3A_465] : memref<125000x8x64xf32, #tpu.memory_space<hbm>> -> memref<1x1x64xf32, #tpu.memory_space<hbm>>
        %dma_start3A_467 = tpu.memref_squeeze %dma_start3A_466 : memref<1x1x64xf32, #tpu.memory_space<hbm>> -> memref<64xf32, #tpu.memory_space<hbm>>
        tpu.enqueue_dma source(%dma_start3A_467 : memref<64xf32, #tpu.memory_space<hbm>>) target(%dma_start3A_464 : memref<64xf32, #tpu.memory_space<vmem>>) target_semaphore(%arg8 : memref<!tpu.dma_semaphore, #tpu.memory_space<semaphore_mem>>)
        %mul3A_468 = arith.constant 16 : i32
        %mul3A_469 = arith.muli %add3A_433, %mul3A_468 : i32
        %add3A_470 = arith.constant 1 : i32
        %add3A_471 = arith.addi %mul3A_469, %add3A_470 : i32
        %mul3A_472 = arith.constant 5243 : i32
        %mul3A_473 = arith.muli %add3A_471, %mul3A_472 : i32
        %shift_right_arithmetic3A_474 = arith.constant 18 : i32
        %shift_right_arithmetic3A_475 = arith.shrsi %mul3A_473, %shift_right_arithmetic3A_474 : i32
        %mul3A_476 = arith.constant 50 : i32
        %mul3A_477 = arith.muli %shift_right_arithmetic3A_475, %mul3A_476 : i32
        %sub3A_478 = arith.subi %add3A_471, %mul3A_477 : i32
        %slice3A_479 = vector.extract_strided_slice %get3A_439 {offsets = [1], sizes = [1], strides = [1]} : vector<16xi32> to vector<1xi32>
        %squeeze3A_480 = vector.extract %slice3A_479[0] : i32 from vector<1xi32>
        %shift_right_arithmetic3A_481 = arith.constant 3 : i32
        %shift_right_arithmetic3A_482 = arith.shrsi %squeeze3A_480, %shift_right_arithmetic3A_481 : i32
        %and3A_483 = arith.constant 7 : i32
        %and3A_484 = arith.andi %squeeze3A_480, %and3A_483 : i32
        %dma_start3A_485 = arith.constant 0 : i32
        %dma_start3A_486 = tpu.memref_slice %arg6[%select_n3A_60, %shift_right_arithmetic3A_475, %sub3A_478, %dma_start3A_485] : memref<2x8x50x64xf32, #tpu.memory_space<vmem>> -> memref<1x1x1x64xf32, #tpu.memory_space<vmem>>
        %dma_start3A_487 = tpu.memref_squeeze %dma_start3A_486 : memref<1x1x1x64xf32, #tpu.memory_space<vmem>> -> memref<64xf32, #tpu.memory_space<vmem>>
        %dma_start3A_488 = arith.constant 0 : i32
        %dma_start3A_489 = tpu.memref_slice %arg3[%shift_right_arithmetic3A_482, %and3A_484, %dma_start3A_488] : memref<125000x8x64xf32, #tpu.memory_space<hbm>> -> memref<1x1x64xf32, #tpu.memory_space<hbm>>
        %dma_start3A_490 = tpu.memref_squeeze %dma_start3A_489 : memref<1x1x64xf32, #tpu.memory_space<hbm>> -> memref<64xf32, #tpu.memory_space<hbm>>
        %dma_start3A_491 = arith.constant 0 : i32
        %dma_start3A_492 = tpu.memref_slice %arg6[%select_n3A_60, %shift_right_arithmetic3A_475, %sub3A_478, %dma_start3A_491] : memref<2x8x50x64xf32, #tpu.memory_space<vmem>> -> memref<1x1x1x64xf32, #tpu.memory_space<vmem>>
        %dma_start3A_493 = tpu.memref_squeeze %dma_start3A_492 : memref<1x1x1x64xf32, #tpu.memory_space<vmem>> -> memref<64xf32, #tpu.memory_space<vmem>>
        %dma_start3A_494 = arith.constant 0 : i32
        %dma_start3A_495 = tpu.memref_slice %arg3[%shift_right_arithmetic3A_482, %and3A_484, %dma_start3A_494] : memref<125000x8x64xf32, #tpu.memory_space<hbm>> -> memref<1x1x64xf32, #tpu.memory_space<hbm>>
        %dma_start3A_496 = tpu.memref_squeeze %dma_start3A_495 : memref<1x1x64xf32, #tpu.memory_space<hbm>> -> memref<64xf32, #tpu.memory_space<hbm>>
        tpu.enqueue_dma source(%dma_start3A_496 : memref<64xf32, #tpu.memory_space<hbm>>) target(%dma_start3A_493 : memref<64xf32, #tpu.memory_space<vmem>>) target_semaphore(%arg8 : memref<!tpu.dma_semaphore, #tpu.memory_space<semaphore_mem>>)
        %mul3A_497 = arith.constant 16 : i32
        %mul3A_498 = arith.muli %add3A_433, %mul3A_497 : i32
        %add3A_499 = arith.constant 2 : i32
        %add3A_500 = arith.addi %mul3A_498, %add3A_499 : i32
        %mul3A_501 = arith.constant 5243 : i32
        %mul3A_502 = arith.muli %add3A_500, %mul3A_501 : i32
        %shift_right_arithmetic3A_503 = arith.constant 18 : i32
        %shift_right_arithmetic3A_504 = arith.shrsi %mul3A_502, %shift_right_arithmetic3A_503 : i32
        %mul3A_505 = arith.constant 50 : i32
        %mul3A_506 = arith.muli %shift_right_arithmetic3A_504, %mul3A_505 : i32
        %sub3A_507 = arith.subi %add3A_500, %mul3A_506 : i32
        %slice3A_508 = vector.extract_strided_slice %get3A_439 {offsets = [2], sizes = [1], strides = [1]} : vector<16xi32> to vector<1xi32>
        %squeeze3A_509 = vector.extract %slice3A_508[0] : i32 from vector<1xi32>
        %shift_right_arithmetic3A_510 = arith.constant 3 : i32
        %shift_right_arithmetic3A_511 = arith.shrsi %squeeze3A_509, %shift_right_arithmetic3A_510 : i32
        %and3A_512 = arith.constant 7 : i32
        %and3A_513 = arith.andi %squeeze3A_509, %and3A_512 : i32
        %dma_start3A_514 = arith.constant 0 : i32
        %dma_start3A_515 = tpu.memref_slice %arg6[%select_n3A_60, %shift_right_arithmetic3A_504, %sub3A_507, %dma_start3A_514] : memref<2x8x50x64xf32, #tpu.memory_space<vmem>> -> memref<1x1x1x64xf32, #tpu.memory_space<vmem>>
        %dma_start3A_516 = tpu.memref_squeeze %dma_start3A_515 : memref<1x1x1x64xf32, #tpu.memory_space<vmem>> -> memref<64xf32, #tpu.memory_space<vmem>>
        %dma_start3A_517 = arith.constant 0 : i32
        %dma_start3A_518 = tpu.memref_slice %arg3[%shift_right_arithmetic3A_511, %and3A_513, %dma_start3A_517] : memref<125000x8x64xf32, #tpu.memory_space<hbm>> -> memref<1x1x64xf32, #tpu.memory_space<hbm>>
        %dma_start3A_519 = tpu.memref_squeeze %dma_start3A_518 : memref<1x1x64xf32, #tpu.memory_space<hbm>> -> memref<64xf32, #tpu.memory_space<hbm>>
        %dma_start3A_520 = arith.constant 0 : i32
        %dma_start3A_521 = tpu.memref_slice %arg6[%select_n3A_60, %shift_right_arithmetic3A_504, %sub3A_507, %dma_start3A_520] : memref<2x8x50x64xf32, #tpu.memory_space<vmem>> -> memref<1x1x1x64xf32, #tpu.memory_space<vmem>>
        %dma_start3A_522 = tpu.memref_squeeze %dma_start3A_521 : memref<1x1x1x64xf32, #tpu.memory_space<vmem>> -> memref<64xf32, #tpu.memory_space<vmem>>
        %dma_start3A_523 = arith.constant 0 : i32
        %dma_start3A_524 = tpu.memref_slice %arg3[%shift_right_arithmetic3A_511, %and3A_513, %dma_start3A_523] : memref<125000x8x64xf32, #tpu.memory_space<hbm>> -> memref<1x1x64xf32, #tpu.memory_space<hbm>>
        %dma_start3A_525 = tpu.memref_squeeze %dma_start3A_524 : memref<1x1x64xf32, #tpu.memory_space<hbm>> -> memref<64xf32, #tpu.memory_space<hbm>>
        tpu.enqueue_dma source(%dma_start3A_525 : memref<64xf32, #tpu.memory_space<hbm>>) target(%dma_start3A_522 : memref<64xf32, #tpu.memory_space<vmem>>) target_semaphore(%arg8 : memref<!tpu.dma_semaphore, #tpu.memory_space<semaphore_mem>>)
        %mul3A_526 = arith.constant 16 : i32
        %mul3A_527 = arith.muli %add3A_433, %mul3A_526 : i32
        %add3A_528 = arith.constant 3 : i32
        %add3A_529 = arith.addi %mul3A_527, %add3A_528 : i32
        %mul3A_530 = arith.constant 5243 : i32
        %mul3A_531 = arith.muli %add3A_529, %mul3A_530 : i32
        %shift_right_arithmetic3A_532 = arith.constant 18 : i32
        %shift_right_arithmetic3A_533 = arith.shrsi %mul3A_531, %shift_right_arithmetic3A_532 : i32
        %mul3A_534 = arith.constant 50 : i32
        %mul3A_535 = arith.muli %shift_right_arithmetic3A_533, %mul3A_534 : i32
        %sub3A_536 = arith.subi %add3A_529, %mul3A_535 : i32
        %slice3A_537 = vector.extract_strided_slice %get3A_439 {offsets = [3], sizes = [1], strides = [1]} : vector<16xi32> to vector<1xi32>
        %squeeze3A_538 = vector.extract %slice3A_537[0] : i32 from vector<1xi32>
        %shift_right_arithmetic3A_539 = arith.constant 3 : i32
        %shift_right_arithmetic3A_540 = arith.shrsi %squeeze3A_538, %shift_right_arithmetic3A_539 : i32
        %and3A_541 = arith.constant 7 : i32
        %and3A_542 = arith.andi %squeeze3A_538, %and3A_541 : i32
        %dma_start3A_543 = arith.constant 0 : i32
        %dma_start3A_544 = tpu.memref_slice %arg6[%select_n3A_60, %shift_right_arithmetic3A_533, %sub3A_536, %dma_start3A_543] : memref<2x8x50x64xf32, #tpu.memory_space<vmem>> -> memref<1x1x1x64xf32, #tpu.memory_space<vmem>>
        %dma_start3A_545 = tpu.memref_squeeze %dma_start3A_544 : memref<1x1x1x64xf32, #tpu.memory_space<vmem>> -> memref<64xf32, #tpu.memory_space<vmem>>
        %dma_start3A_546 = arith.constant 0 : i32
        %dma_start3A_547 = tpu.memref_slice %arg3[%shift_right_arithmetic3A_540, %and3A_542, %dma_start3A_546] : memref<125000x8x64xf32, #tpu.memory_space<hbm>> -> memref<1x1x64xf32, #tpu.memory_space<hbm>>
        %dma_start3A_548 = tpu.memref_squeeze %dma_start3A_547 : memref<1x1x64xf32, #tpu.memory_space<hbm>> -> memref<64xf32, #tpu.memory_space<hbm>>
        %dma_start3A_549 = arith.constant 0 : i32
        %dma_start3A_550 = tpu.memref_slice %arg6[%select_n3A_60, %shift_right_arithmetic3A_533, %sub3A_536, %dma_start3A_549] : memref<2x8x50x64xf32, #tpu.memory_space<vmem>> -> memref<1x1x1x64xf32, #tpu.memory_space<vmem>>
        %dma_start3A_551 = tpu.memref_squeeze %dma_start3A_550 : memref<1x1x1x64xf32, #tpu.memory_space<vmem>> -> memref<64xf32, #tpu.memory_space<vmem>>
        %dma_start3A_552 = arith.constant 0 : i32
        %dma_start3A_553 = tpu.memref_slice %arg3[%shift_right_arithmetic3A_540, %and3A_542, %dma_start3A_552] : memref<125000x8x64xf32, #tpu.memory_space<hbm>> -> memref<1x1x64xf32, #tpu.memory_space<hbm>>
        %dma_start3A_554 = tpu.memref_squeeze %dma_start3A_553 : memref<1x1x64xf32, #tpu.memory_space<hbm>> -> memref<64xf32, #tpu.memory_space<hbm>>
        tpu.enqueue_dma source(%dma_start3A_554 : memref<64xf32, #tpu.memory_space<hbm>>) target(%dma_start3A_551 : memref<64xf32, #tpu.memory_space<vmem>>) target_semaphore(%arg8 : memref<!tpu.dma_semaphore, #tpu.memory_space<semaphore_mem>>)
        %mul3A_555 = arith.constant 16 : i32
        %mul3A_556 = arith.muli %add3A_433, %mul3A_555 : i32
        %add3A_557 = arith.constant 4 : i32
        %add3A_558 = arith.addi %mul3A_556, %add3A_557 : i32
        %mul3A_559 = arith.constant 5243 : i32
        %mul3A_560 = arith.muli %add3A_558, %mul3A_559 : i32
        %shift_right_arithmetic3A_561 = arith.constant 18 : i32
        %shift_right_arithmetic3A_562 = arith.shrsi %mul3A_560, %shift_right_arithmetic3A_561 : i32
        %mul3A_563 = arith.constant 50 : i32
        %mul3A_564 = arith.muli %shift_right_arithmetic3A_562, %mul3A_563 : i32
        %sub3A_565 = arith.subi %add3A_558, %mul3A_564 : i32
        %slice3A_566 = vector.extract_strided_slice %get3A_439 {offsets = [4], sizes = [1], strides = [1]} : vector<16xi32> to vector<1xi32>
        %squeeze3A_567 = vector.extract %slice3A_566[0] : i32 from vector<1xi32>
        %shift_right_arithmetic3A_568 = arith.constant 3 : i32
        %shift_right_arithmetic3A_569 = arith.shrsi %squeeze3A_567, %shift_right_arithmetic3A_568 : i32
        %and3A_570 = arith.constant 7 : i32
        %and3A_571 = arith.andi %squeeze3A_567, %and3A_570 : i32
        %dma_start3A_572 = arith.constant 0 : i32
        %dma_start3A_573 = tpu.memref_slice %arg6[%select_n3A_60, %shift_right_arithmetic3A_562, %sub3A_565, %dma_start3A_572] : memref<2x8x50x64xf32, #tpu.memory_space<vmem>> -> memref<1x1x1x64xf32, #tpu.memory_space<vmem>>
        %dma_start3A_574 = tpu.memref_squeeze %dma_start3A_573 : memref<1x1x1x64xf32, #tpu.memory_space<vmem>> -> memref<64xf32, #tpu.memory_space<vmem>>
        %dma_start3A_575 = arith.constant 0 : i32
        %dma_start3A_576 = tpu.memref_slice %arg3[%shift_right_arithmetic3A_569, %and3A_571, %dma_start3A_575] : memref<125000x8x64xf32, #tpu.memory_space<hbm>> -> memref<1x1x64xf32, #tpu.memory_space<hbm>>
        %dma_start3A_577 = tpu.memref_squeeze %dma_start3A_576 : memref<1x1x64xf32, #tpu.memory_space<hbm>> -> memref<64xf32, #tpu.memory_space<hbm>>
        %dma_start3A_578 = arith.constant 0 : i32
        %dma_start3A_579 = tpu.memref_slice %arg6[%select_n3A_60, %shift_right_arithmetic3A_562, %sub3A_565, %dma_start3A_578] : memref<2x8x50x64xf32, #tpu.memory_space<vmem>> -> memref<1x1x1x64xf32, #tpu.memory_space<vmem>>
        %dma_start3A_580 = tpu.memref_squeeze %dma_start3A_579 : memref<1x1x1x64xf32, #tpu.memory_space<vmem>> -> memref<64xf32, #tpu.memory_space<vmem>>
        %dma_start3A_581 = arith.constant 0 : i32
        %dma_start3A_582 = tpu.memref_slice %arg3[%shift_right_arithmetic3A_569, %and3A_571, %dma_start3A_581] : memref<125000x8x64xf32, #tpu.memory_space<hbm>> -> memref<1x1x64xf32, #tpu.memory_space<hbm>>
        %dma_start3A_583 = tpu.memref_squeeze %dma_start3A_582 : memref<1x1x64xf32, #tpu.memory_space<hbm>> -> memref<64xf32, #tpu.memory_space<hbm>>
        tpu.enqueue_dma source(%dma_start3A_583 : memref<64xf32, #tpu.memory_space<hbm>>) target(%dma_start3A_580 : memref<64xf32, #tpu.memory_space<vmem>>) target_semaphore(%arg8 : memref<!tpu.dma_semaphore, #tpu.memory_space<semaphore_mem>>)
        %mul3A_584 = arith.constant 16 : i32
        %mul3A_585 = arith.muli %add3A_433, %mul3A_584 : i32
        %add3A_586 = arith.constant 5 : i32
        %add3A_587 = arith.addi %mul3A_585, %add3A_586 : i32
        %mul3A_588 = arith.constant 5243 : i32
        %mul3A_589 = arith.muli %add3A_587, %mul3A_588 : i32
        %shift_right_arithmetic3A_590 = arith.constant 18 : i32
        %shift_right_arithmetic3A_591 = arith.shrsi %mul3A_589, %shift_right_arithmetic3A_590 : i32
        %mul3A_592 = arith.constant 50 : i32
        %mul3A_593 = arith.muli %shift_right_arithmetic3A_591, %mul3A_592 : i32
        %sub3A_594 = arith.subi %add3A_587, %mul3A_593 : i32
        %slice3A_595 = vector.extract_strided_slice %get3A_439 {offsets = [5], sizes = [1], strides = [1]} : vector<16xi32> to vector<1xi32>
        %squeeze3A_596 = vector.extract %slice3A_595[0] : i32 from vector<1xi32>
        %shift_right_arithmetic3A_597 = arith.constant 3 : i32
        %shift_right_arithmetic3A_598 = arith.shrsi %squeeze3A_596, %shift_right_arithmetic3A_597 : i32
        %and3A_599 = arith.constant 7 : i32
        %and3A_600 = arith.andi %squeeze3A_596, %and3A_599 : i32
        %dma_start3A_601 = arith.constant 0 : i32
        %dma_start3A_602 = tpu.memref_slice %arg6[%select_n3A_60, %shift_right_arithmetic3A_591, %sub3A_594, %dma_start3A_601] : memref<2x8x50x64xf32, #tpu.memory_space<vmem>> -> memref<1x1x1x64xf32, #tpu.memory_space<vmem>>
        %dma_start3A_603 = tpu.memref_squeeze %dma_start3A_602 : memref<1x1x1x64xf32, #tpu.memory_space<vmem>> -> memref<64xf32, #tpu.memory_space<vmem>>
        %dma_start3A_604 = arith.constant 0 : i32
        %dma_start3A_605 = tpu.memref_slice %arg3[%shift_right_arithmetic3A_598, %and3A_600, %dma_start3A_604] : memref<125000x8x64xf32, #tpu.memory_space<hbm>> -> memref<1x1x64xf32, #tpu.memory_space<hbm>>
        %dma_start3A_606 = tpu.memref_squeeze %dma_start3A_605 : memref<1x1x64xf32, #tpu.memory_space<hbm>> -> memref<64xf32, #tpu.memory_space<hbm>>
        %dma_start3A_607 = arith.constant 0 : i32
        %dma_start3A_608 = tpu.memref_slice %arg6[%select_n3A_60, %shift_right_arithmetic3A_591, %sub3A_594, %dma_start3A_607] : memref<2x8x50x64xf32, #tpu.memory_space<vmem>> -> memref<1x1x1x64xf32, #tpu.memory_space<vmem>>
        %dma_start3A_609 = tpu.memref_squeeze %dma_start3A_608 : memref<1x1x1x64xf32, #tpu.memory_space<vmem>> -> memref<64xf32, #tpu.memory_space<vmem>>
        %dma_start3A_610 = arith.constant 0 : i32
        %dma_start3A_611 = tpu.memref_slice %arg3[%shift_right_arithmetic3A_598, %and3A_600, %dma_start3A_610] : memref<125000x8x64xf32, #tpu.memory_space<hbm>> -> memref<1x1x64xf32, #tpu.memory_space<hbm>>
        %dma_start3A_612 = tpu.memref_squeeze %dma_start3A_611 : memref<1x1x64xf32, #tpu.memory_space<hbm>> -> memref<64xf32, #tpu.memory_space<hbm>>
        tpu.enqueue_dma source(%dma_start3A_612 : memref<64xf32, #tpu.memory_space<hbm>>) target(%dma_start3A_609 : memref<64xf32, #tpu.memory_space<vmem>>) target_semaphore(%arg8 : memref<!tpu.dma_semaphore, #tpu.memory_space<semaphore_mem>>)
        %mul3A_613 = arith.constant 16 : i32
        %mul3A_614 = arith.muli %add3A_433, %mul3A_613 : i32
        %add3A_615 = arith.constant 6 : i32
        %add3A_616 = arith.addi %mul3A_614, %add3A_615 : i32
        %mul3A_617 = arith.constant 5243 : i32
        %mul3A_618 = arith.muli %add3A_616, %mul3A_617 : i32
        %shift_right_arithmetic3A_619 = arith.constant 18 : i32
        %shift_right_arithmetic3A_620 = arith.shrsi %mul3A_618, %shift_right_arithmetic3A_619 : i32
        %mul3A_621 = arith.constant 50 : i32
        %mul3A_622 = arith.muli %shift_right_arithmetic3A_620, %mul3A_621 : i32
        %sub3A_623 = arith.subi %add3A_616, %mul3A_622 : i32
        %slice3A_624 = vector.extract_strided_slice %get3A_439 {offsets = [6], sizes = [1], strides = [1]} : vector<16xi32> to vector<1xi32>
        %squeeze3A_625 = vector.extract %slice3A_624[0] : i32 from vector<1xi32>
        %shift_right_arithmetic3A_626 = arith.constant 3 : i32
        %shift_right_arithmetic3A_627 = arith.shrsi %squeeze3A_625, %shift_right_arithmetic3A_626 : i32
        %and3A_628 = arith.constant 7 : i32
        %and3A_629 = arith.andi %squeeze3A_625, %and3A_628 : i32
        %dma_start3A_630 = arith.constant 0 : i32
        %dma_start3A_631 = tpu.memref_slice %arg6[%select_n3A_60, %shift_right_arithmetic3A_620, %sub3A_623, %dma_start3A_630] : memref<2x8x50x64xf32, #tpu.memory_space<vmem>> -> memref<1x1x1x64xf32, #tpu.memory_space<vmem>>
        %dma_start3A_632 = tpu.memref_squeeze %dma_start3A_631 : memref<1x1x1x64xf32, #tpu.memory_space<vmem>> -> memref<64xf32, #tpu.memory_space<vmem>>
        %dma_start3A_633 = arith.constant 0 : i32
        %dma_start3A_634 = tpu.memref_slice %arg3[%shift_right_arithmetic3A_627, %and3A_629, %dma_start3A_633] : memref<125000x8x64xf32, #tpu.memory_space<hbm>> -> memref<1x1x64xf32, #tpu.memory_space<hbm>>
        %dma_start3A_635 = tpu.memref_squeeze %dma_start3A_634 : memref<1x1x64xf32, #tpu.memory_space<hbm>> -> memref<64xf32, #tpu.memory_space<hbm>>
        %dma_start3A_636 = arith.constant 0 : i32
        %dma_start3A_637 = tpu.memref_slice %arg6[%select_n3A_60, %shift_right_arithmetic3A_620, %sub3A_623, %dma_start3A_636] : memref<2x8x50x64xf32, #tpu.memory_space<vmem>> -> memref<1x1x1x64xf32, #tpu.memory_space<vmem>>
        %dma_start3A_638 = tpu.memref_squeeze %dma_start3A_637 : memref<1x1x1x64xf32, #tpu.memory_space<vmem>> -> memref<64xf32, #tpu.memory_space<vmem>>
        %dma_start3A_639 = arith.constant 0 : i32
        %dma_start3A_640 = tpu.memref_slice %arg3[%shift_right_arithmetic3A_627, %and3A_629, %dma_start3A_639] : memref<125000x8x64xf32, #tpu.memory_space<hbm>> -> memref<1x1x64xf32, #tpu.memory_space<hbm>>
        %dma_start3A_641 = tpu.memref_squeeze %dma_start3A_640 : memref<1x1x64xf32, #tpu.memory_space<hbm>> -> memref<64xf32, #tpu.memory_space<hbm>>
        tpu.enqueue_dma source(%dma_start3A_641 : memref<64xf32, #tpu.memory_space<hbm>>) target(%dma_start3A_638 : memref<64xf32, #tpu.memory_space<vmem>>) target_semaphore(%arg8 : memref<!tpu.dma_semaphore, #tpu.memory_space<semaphore_mem>>)
        %mul3A_642 = arith.constant 16 : i32
        %mul3A_643 = arith.muli %add3A_433, %mul3A_642 : i32
        %add3A_644 = arith.constant 7 : i32
        %add3A_645 = arith.addi %mul3A_643, %add3A_644 : i32
        %mul3A_646 = arith.constant 5243 : i32
        %mul3A_647 = arith.muli %add3A_645, %mul3A_646 : i32
        %shift_right_arithmetic3A_648 = arith.constant 18 : i32
        %shift_right_arithmetic3A_649 = arith.shrsi %mul3A_647, %shift_right_arithmetic3A_648 : i32
        %mul3A_650 = arith.constant 50 : i32
        %mul3A_651 = arith.muli %shift_right_arithmetic3A_649, %mul3A_650 : i32
        %sub3A_652 = arith.subi %add3A_645, %mul3A_651 : i32
        %slice3A_653 = vector.extract_strided_slice %get3A_439 {offsets = [7], sizes = [1], strides = [1]} : vector<16xi32> to vector<1xi32>
        %squeeze3A_654 = vector.extract %slice3A_653[0] : i32 from vector<1xi32>
        %shift_right_arithmetic3A_655 = arith.constant 3 : i32
        %shift_right_arithmetic3A_656 = arith.shrsi %squeeze3A_654, %shift_right_arithmetic3A_655 : i32
        %and3A_657 = arith.constant 7 : i32
        %and3A_658 = arith.andi %squeeze3A_654, %and3A_657 : i32
        %dma_start3A_659 = arith.constant 0 : i32
        %dma_start3A_660 = tpu.memref_slice %arg6[%select_n3A_60, %shift_right_arithmetic3A_649, %sub3A_652, %dma_start3A_659] : memref<2x8x50x64xf32, #tpu.memory_space<vmem>> -> memref<1x1x1x64xf32, #tpu.memory_space<vmem>>
        %dma_start3A_661 = tpu.memref_squeeze %dma_start3A_660 : memref<1x1x1x64xf32, #tpu.memory_space<vmem>> -> memref<64xf32, #tpu.memory_space<vmem>>
        %dma_start3A_662 = arith.constant 0 : i32
        %dma_start3A_663 = tpu.memref_slice %arg3[%shift_right_arithmetic3A_656, %and3A_658, %dma_start3A_662] : memref<125000x8x64xf32, #tpu.memory_space<hbm>> -> memref<1x1x64xf32, #tpu.memory_space<hbm>>
        %dma_start3A_664 = tpu.memref_squeeze %dma_start3A_663 : memref<1x1x64xf32, #tpu.memory_space<hbm>> -> memref<64xf32, #tpu.memory_space<hbm>>
        %dma_start3A_665 = arith.constant 0 : i32
        %dma_start3A_666 = tpu.memref_slice %arg6[%select_n3A_60, %shift_right_arithmetic3A_649, %sub3A_652, %dma_start3A_665] : memref<2x8x50x64xf32, #tpu.memory_space<vmem>> -> memref<1x1x1x64xf32, #tpu.memory_space<vmem>>
        %dma_start3A_667 = tpu.memref_squeeze %dma_start3A_666 : memref<1x1x1x64xf32, #tpu.memory_space<vmem>> -> memref<64xf32, #tpu.memory_space<vmem>>
        %dma_start3A_668 = arith.constant 0 : i32
        %dma_start3A_669 = tpu.memref_slice %arg3[%shift_right_arithmetic3A_656, %and3A_658, %dma_start3A_668] : memref<125000x8x64xf32, #tpu.memory_space<hbm>> -> memref<1x1x64xf32, #tpu.memory_space<hbm>>
        %dma_start3A_670 = tpu.memref_squeeze %dma_start3A_669 : memref<1x1x64xf32, #tpu.memory_space<hbm>> -> memref<64xf32, #tpu.memory_space<hbm>>
        tpu.enqueue_dma source(%dma_start3A_670 : memref<64xf32, #tpu.memory_space<hbm>>) target(%dma_start3A_667 : memref<64xf32, #tpu.memory_space<vmem>>) target_semaphore(%arg8 : memref<!tpu.dma_semaphore, #tpu.memory_space<semaphore_mem>>)
        %mul3A_671 = arith.constant 16 : i32
        %mul3A_672 = arith.muli %add3A_433, %mul3A_671 : i32
        %add3A_673 = arith.constant 8 : i32
        %add3A_674 = arith.addi %mul3A_672, %add3A_673 : i32
        %mul3A_675 = arith.constant 5243 : i32
        %mul3A_676 = arith.muli %add3A_674, %mul3A_675 : i32
        %shift_right_arithmetic3A_677 = arith.constant 18 : i32
        %shift_right_arithmetic3A_678 = arith.shrsi %mul3A_676, %shift_right_arithmetic3A_677 : i32
        %mul3A_679 = arith.constant 50 : i32
        %mul3A_680 = arith.muli %shift_right_arithmetic3A_678, %mul3A_679 : i32
        %sub3A_681 = arith.subi %add3A_674, %mul3A_680 : i32
        %slice3A_682 = vector.extract_strided_slice %get3A_439 {offsets = [8], sizes = [1], strides = [1]} : vector<16xi32> to vector<1xi32>
        %squeeze3A_683 = vector.extract %slice3A_682[0] : i32 from vector<1xi32>
        %shift_right_arithmetic3A_684 = arith.constant 3 : i32
        %shift_right_arithmetic3A_685 = arith.shrsi %squeeze3A_683, %shift_right_arithmetic3A_684 : i32
        %and3A_686 = arith.constant 7 : i32
        %and3A_687 = arith.andi %squeeze3A_683, %and3A_686 : i32
        %dma_start3A_688 = arith.constant 0 : i32
        %dma_start3A_689 = tpu.memref_slice %arg6[%select_n3A_60, %shift_right_arithmetic3A_678, %sub3A_681, %dma_start3A_688] : memref<2x8x50x64xf32, #tpu.memory_space<vmem>> -> memref<1x1x1x64xf32, #tpu.memory_space<vmem>>
        %dma_start3A_690 = tpu.memref_squeeze %dma_start3A_689 : memref<1x1x1x64xf32, #tpu.memory_space<vmem>> -> memref<64xf32, #tpu.memory_space<vmem>>
        %dma_start3A_691 = arith.constant 0 : i32
        %dma_start3A_692 = tpu.memref_slice %arg3[%shift_right_arithmetic3A_685, %and3A_687, %dma_start3A_691] : memref<125000x8x64xf32, #tpu.memory_space<hbm>> -> memref<1x1x64xf32, #tpu.memory_space<hbm>>
        %dma_start3A_693 = tpu.memref_squeeze %dma_start3A_692 : memref<1x1x64xf32, #tpu.memory_space<hbm>> -> memref<64xf32, #tpu.memory_space<hbm>>
        %dma_start3A_694 = arith.constant 0 : i32
        %dma_start3A_695 = tpu.memref_slice %arg6[%select_n3A_60, %shift_right_arithmetic3A_678, %sub3A_681, %dma_start3A_694] : memref<2x8x50x64xf32, #tpu.memory_space<vmem>> -> memref<1x1x1x64xf32, #tpu.memory_space<vmem>>
        %dma_start3A_696 = tpu.memref_squeeze %dma_start3A_695 : memref<1x1x1x64xf32, #tpu.memory_space<vmem>> -> memref<64xf32, #tpu.memory_space<vmem>>
        %dma_start3A_697 = arith.constant 0 : i32
        %dma_start3A_698 = tpu.memref_slice %arg3[%shift_right_arithmetic3A_685, %and3A_687, %dma_start3A_697] : memref<125000x8x64xf32, #tpu.memory_space<hbm>> -> memref<1x1x64xf32, #tpu.memory_space<hbm>>
        %dma_start3A_699 = tpu.memref_squeeze %dma_start3A_698 : memref<1x1x64xf32, #tpu.memory_space<hbm>> -> memref<64xf32, #tpu.memory_space<hbm>>
        tpu.enqueue_dma source(%dma_start3A_699 : memref<64xf32, #tpu.memory_space<hbm>>) target(%dma_start3A_696 : memref<64xf32, #tpu.memory_space<vmem>>) target_semaphore(%arg8 : memref<!tpu.dma_semaphore, #tpu.memory_space<semaphore_mem>>)
        %mul3A_700 = arith.constant 16 : i32
        %mul3A_701 = arith.muli %add3A_433, %mul3A_700 : i32
        %add3A_702 = arith.constant 9 : i32
        %add3A_703 = arith.addi %mul3A_701, %add3A_702 : i32
        %mul3A_704 = arith.constant 5243 : i32
        %mul3A_705 = arith.muli %add3A_703, %mul3A_704 : i32
        %shift_right_arithmetic3A_706 = arith.constant 18 : i32
        %shift_right_arithmetic3A_707 = arith.shrsi %mul3A_705, %shift_right_arithmetic3A_706 : i32
        %mul3A_708 = arith.constant 50 : i32
        %mul3A_709 = arith.muli %shift_right_arithmetic3A_707, %mul3A_708 : i32
        %sub3A_710 = arith.subi %add3A_703, %mul3A_709 : i32
        %slice3A_711 = vector.extract_strided_slice %get3A_439 {offsets = [9], sizes = [1], strides = [1]} : vector<16xi32> to vector<1xi32>
        %squeeze3A_712 = vector.extract %slice3A_711[0] : i32 from vector<1xi32>
        %shift_right_arithmetic3A_713 = arith.constant 3 : i32
        %shift_right_arithmetic3A_714 = arith.shrsi %squeeze3A_712, %shift_right_arithmetic3A_713 : i32
        %and3A_715 = arith.constant 7 : i32
        %and3A_716 = arith.andi %squeeze3A_712, %and3A_715 : i32
        %dma_start3A_717 = arith.constant 0 : i32
        %dma_start3A_718 = tpu.memref_slice %arg6[%select_n3A_60, %shift_right_arithmetic3A_707, %sub3A_710, %dma_start3A_717] : memref<2x8x50x64xf32, #tpu.memory_space<vmem>> -> memref<1x1x1x64xf32, #tpu.memory_space<vmem>>
        %dma_start3A_719 = tpu.memref_squeeze %dma_start3A_718 : memref<1x1x1x64xf32, #tpu.memory_space<vmem>> -> memref<64xf32, #tpu.memory_space<vmem>>
        %dma_start3A_720 = arith.constant 0 : i32
        %dma_start3A_721 = tpu.memref_slice %arg3[%shift_right_arithmetic3A_714, %and3A_716, %dma_start3A_720] : memref<125000x8x64xf32, #tpu.memory_space<hbm>> -> memref<1x1x64xf32, #tpu.memory_space<hbm>>
        %dma_start3A_722 = tpu.memref_squeeze %dma_start3A_721 : memref<1x1x64xf32, #tpu.memory_space<hbm>> -> memref<64xf32, #tpu.memory_space<hbm>>
        %dma_start3A_723 = arith.constant 0 : i32
        %dma_start3A_724 = tpu.memref_slice %arg6[%select_n3A_60, %shift_right_arithmetic3A_707, %sub3A_710, %dma_start3A_723] : memref<2x8x50x64xf32, #tpu.memory_space<vmem>> -> memref<1x1x1x64xf32, #tpu.memory_space<vmem>>
        %dma_start3A_725 = tpu.memref_squeeze %dma_start3A_724 : memref<1x1x1x64xf32, #tpu.memory_space<vmem>> -> memref<64xf32, #tpu.memory_space<vmem>>
        %dma_start3A_726 = arith.constant 0 : i32
        %dma_start3A_727 = tpu.memref_slice %arg3[%shift_right_arithmetic3A_714, %and3A_716, %dma_start3A_726] : memref<125000x8x64xf32, #tpu.memory_space<hbm>> -> memref<1x1x64xf32, #tpu.memory_space<hbm>>
        %dma_start3A_728 = tpu.memref_squeeze %dma_start3A_727 : memref<1x1x64xf32, #tpu.memory_space<hbm>> -> memref<64xf32, #tpu.memory_space<hbm>>
        tpu.enqueue_dma source(%dma_start3A_728 : memref<64xf32, #tpu.memory_space<hbm>>) target(%dma_start3A_725 : memref<64xf32, #tpu.memory_space<vmem>>) target_semaphore(%arg8 : memref<!tpu.dma_semaphore, #tpu.memory_space<semaphore_mem>>)
        %mul3A_729 = arith.constant 16 : i32
        %mul3A_730 = arith.muli %add3A_433, %mul3A_729 : i32
        %add3A_731 = arith.constant 10 : i32
        %add3A_732 = arith.addi %mul3A_730, %add3A_731 : i32
        %mul3A_733 = arith.constant 5243 : i32
        %mul3A_734 = arith.muli %add3A_732, %mul3A_733 : i32
        %shift_right_arithmetic3A_735 = arith.constant 18 : i32
        %shift_right_arithmetic3A_736 = arith.shrsi %mul3A_734, %shift_right_arithmetic3A_735 : i32
        %mul3A_737 = arith.constant 50 : i32
        %mul3A_738 = arith.muli %shift_right_arithmetic3A_736, %mul3A_737 : i32
        %sub3A_739 = arith.subi %add3A_732, %mul3A_738 : i32
        %slice3A_740 = vector.extract_strided_slice %get3A_439 {offsets = [10], sizes = [1], strides = [1]} : vector<16xi32> to vector<1xi32>
        %squeeze3A_741 = vector.extract %slice3A_740[0] : i32 from vector<1xi32>
        %shift_right_arithmetic3A_742 = arith.constant 3 : i32
        %shift_right_arithmetic3A_743 = arith.shrsi %squeeze3A_741, %shift_right_arithmetic3A_742 : i32
        %and3A_744 = arith.constant 7 : i32
        %and3A_745 = arith.andi %squeeze3A_741, %and3A_744 : i32
        %dma_start3A_746 = arith.constant 0 : i32
        %dma_start3A_747 = tpu.memref_slice %arg6[%select_n3A_60, %shift_right_arithmetic3A_736, %sub3A_739, %dma_start3A_746] : memref<2x8x50x64xf32, #tpu.memory_space<vmem>> -> memref<1x1x1x64xf32, #tpu.memory_space<vmem>>
        %dma_start3A_748 = tpu.memref_squeeze %dma_start3A_747 : memref<1x1x1x64xf32, #tpu.memory_space<vmem>> -> memref<64xf32, #tpu.memory_space<vmem>>
        %dma_start3A_749 = arith.constant 0 : i32
        %dma_start3A_750 = tpu.memref_slice %arg3[%shift_right_arithmetic3A_743, %and3A_745, %dma_start3A_749] : memref<125000x8x64xf32, #tpu.memory_space<hbm>> -> memref<1x1x64xf32, #tpu.memory_space<hbm>>
        %dma_start3A_751 = tpu.memref_squeeze %dma_start3A_750 : memref<1x1x64xf32, #tpu.memory_space<hbm>> -> memref<64xf32, #tpu.memory_space<hbm>>
        %dma_start3A_752 = arith.constant 0 : i32
        %dma_start3A_753 = tpu.memref_slice %arg6[%select_n3A_60, %shift_right_arithmetic3A_736, %sub3A_739, %dma_start3A_752] : memref<2x8x50x64xf32, #tpu.memory_space<vmem>> -> memref<1x1x1x64xf32, #tpu.memory_space<vmem>>
        %dma_start3A_754 = tpu.memref_squeeze %dma_start3A_753 : memref<1x1x1x64xf32, #tpu.memory_space<vmem>> -> memref<64xf32, #tpu.memory_space<vmem>>
        %dma_start3A_755 = arith.constant 0 : i32
        %dma_start3A_756 = tpu.memref_slice %arg3[%shift_right_arithmetic3A_743, %and3A_745, %dma_start3A_755] : memref<125000x8x64xf32, #tpu.memory_space<hbm>> -> memref<1x1x64xf32, #tpu.memory_space<hbm>>
        %dma_start3A_757 = tpu.memref_squeeze %dma_start3A_756 : memref<1x1x64xf32, #tpu.memory_space<hbm>> -> memref<64xf32, #tpu.memory_space<hbm>>
        tpu.enqueue_dma source(%dma_start3A_757 : memref<64xf32, #tpu.memory_space<hbm>>) target(%dma_start3A_754 : memref<64xf32, #tpu.memory_space<vmem>>) target_semaphore(%arg8 : memref<!tpu.dma_semaphore, #tpu.memory_space<semaphore_mem>>)
        %mul3A_758 = arith.constant 16 : i32
        %mul3A_759 = arith.muli %add3A_433, %mul3A_758 : i32
        %add3A_760 = arith.constant 11 : i32
        %add3A_761 = arith.addi %mul3A_759, %add3A_760 : i32
        %mul3A_762 = arith.constant 5243 : i32
        %mul3A_763 = arith.muli %add3A_761, %mul3A_762 : i32
        %shift_right_arithmetic3A_764 = arith.constant 18 : i32
        %shift_right_arithmetic3A_765 = arith.shrsi %mul3A_763, %shift_right_arithmetic3A_764 : i32
        %mul3A_766 = arith.constant 50 : i32
        %mul3A_767 = arith.muli %shift_right_arithmetic3A_765, %mul3A_766 : i32
        %sub3A_768 = arith.subi %add3A_761, %mul3A_767 : i32
        %slice3A_769 = vector.extract_strided_slice %get3A_439 {offsets = [11], sizes = [1], strides = [1]} : vector<16xi32> to vector<1xi32>
        %squeeze3A_770 = vector.extract %slice3A_769[0] : i32 from vector<1xi32>
        %shift_right_arithmetic3A_771 = arith.constant 3 : i32
        %shift_right_arithmetic3A_772 = arith.shrsi %squeeze3A_770, %shift_right_arithmetic3A_771 : i32
        %and3A_773 = arith.constant 7 : i32
        %and3A_774 = arith.andi %squeeze3A_770, %and3A_773 : i32
        %dma_start3A_775 = arith.constant 0 : i32
        %dma_start3A_776 = tpu.memref_slice %arg6[%select_n3A_60, %shift_right_arithmetic3A_765, %sub3A_768, %dma_start3A_775] : memref<2x8x50x64xf32, #tpu.memory_space<vmem>> -> memref<1x1x1x64xf32, #tpu.memory_space<vmem>>
        %dma_start3A_777 = tpu.memref_squeeze %dma_start3A_776 : memref<1x1x1x64xf32, #tpu.memory_space<vmem>> -> memref<64xf32, #tpu.memory_space<vmem>>
        %dma_start3A_778 = arith.constant 0 : i32
        %dma_start3A_779 = tpu.memref_slice %arg3[%shift_right_arithmetic3A_772, %and3A_774, %dma_start3A_778] : memref<125000x8x64xf32, #tpu.memory_space<hbm>> -> memref<1x1x64xf32, #tpu.memory_space<hbm>>
        %dma_start3A_780 = tpu.memref_squeeze %dma_start3A_779 : memref<1x1x64xf32, #tpu.memory_space<hbm>> -> memref<64xf32, #tpu.memory_space<hbm>>
        %dma_start3A_781 = arith.constant 0 : i32
        %dma_start3A_782 = tpu.memref_slice %arg6[%select_n3A_60, %shift_right_arithmetic3A_765, %sub3A_768, %dma_start3A_781] : memref<2x8x50x64xf32, #tpu.memory_space<vmem>> -> memref<1x1x1x64xf32, #tpu.memory_space<vmem>>
        %dma_start3A_783 = tpu.memref_squeeze %dma_start3A_782 : memref<1x1x1x64xf32, #tpu.memory_space<vmem>> -> memref<64xf32, #tpu.memory_space<vmem>>
        %dma_start3A_784 = arith.constant 0 : i32
        %dma_start3A_785 = tpu.memref_slice %arg3[%shift_right_arithmetic3A_772, %and3A_774, %dma_start3A_784] : memref<125000x8x64xf32, #tpu.memory_space<hbm>> -> memref<1x1x64xf32, #tpu.memory_space<hbm>>
        %dma_start3A_786 = tpu.memref_squeeze %dma_start3A_785 : memref<1x1x64xf32, #tpu.memory_space<hbm>> -> memref<64xf32, #tpu.memory_space<hbm>>
        tpu.enqueue_dma source(%dma_start3A_786 : memref<64xf32, #tpu.memory_space<hbm>>) target(%dma_start3A_783 : memref<64xf32, #tpu.memory_space<vmem>>) target_semaphore(%arg8 : memref<!tpu.dma_semaphore, #tpu.memory_space<semaphore_mem>>)
        %mul3A_787 = arith.constant 16 : i32
        %mul3A_788 = arith.muli %add3A_433, %mul3A_787 : i32
        %add3A_789 = arith.constant 12 : i32
        %add3A_790 = arith.addi %mul3A_788, %add3A_789 : i32
        %mul3A_791 = arith.constant 5243 : i32
        %mul3A_792 = arith.muli %add3A_790, %mul3A_791 : i32
        %shift_right_arithmetic3A_793 = arith.constant 18 : i32
        %shift_right_arithmetic3A_794 = arith.shrsi %mul3A_792, %shift_right_arithmetic3A_793 : i32
        %mul3A_795 = arith.constant 50 : i32
        %mul3A_796 = arith.muli %shift_right_arithmetic3A_794, %mul3A_795 : i32
        %sub3A_797 = arith.subi %add3A_790, %mul3A_796 : i32
        %slice3A_798 = vector.extract_strided_slice %get3A_439 {offsets = [12], sizes = [1], strides = [1]} : vector<16xi32> to vector<1xi32>
        %squeeze3A_799 = vector.extract %slice3A_798[0] : i32 from vector<1xi32>
        %shift_right_arithmetic3A_800 = arith.constant 3 : i32
        %shift_right_arithmetic3A_801 = arith.shrsi %squeeze3A_799, %shift_right_arithmetic3A_800 : i32
        %and3A_802 = arith.constant 7 : i32
        %and3A_803 = arith.andi %squeeze3A_799, %and3A_802 : i32
        %dma_start3A_804 = arith.constant 0 : i32
        %dma_start3A_805 = tpu.memref_slice %arg6[%select_n3A_60, %shift_right_arithmetic3A_794, %sub3A_797, %dma_start3A_804] : memref<2x8x50x64xf32, #tpu.memory_space<vmem>> -> memref<1x1x1x64xf32, #tpu.memory_space<vmem>>
        %dma_start3A_806 = tpu.memref_squeeze %dma_start3A_805 : memref<1x1x1x64xf32, #tpu.memory_space<vmem>> -> memref<64xf32, #tpu.memory_space<vmem>>
        %dma_start3A_807 = arith.constant 0 : i32
        %dma_start3A_808 = tpu.memref_slice %arg3[%shift_right_arithmetic3A_801, %and3A_803, %dma_start3A_807] : memref<125000x8x64xf32, #tpu.memory_space<hbm>> -> memref<1x1x64xf32, #tpu.memory_space<hbm>>
        %dma_start3A_809 = tpu.memref_squeeze %dma_start3A_808 : memref<1x1x64xf32, #tpu.memory_space<hbm>> -> memref<64xf32, #tpu.memory_space<hbm>>
        %dma_start3A_810 = arith.constant 0 : i32
        %dma_start3A_811 = tpu.memref_slice %arg6[%select_n3A_60, %shift_right_arithmetic3A_794, %sub3A_797, %dma_start3A_810] : memref<2x8x50x64xf32, #tpu.memory_space<vmem>> -> memref<1x1x1x64xf32, #tpu.memory_space<vmem>>
        %dma_start3A_812 = tpu.memref_squeeze %dma_start3A_811 : memref<1x1x1x64xf32, #tpu.memory_space<vmem>> -> memref<64xf32, #tpu.memory_space<vmem>>
        %dma_start3A_813 = arith.constant 0 : i32
        %dma_start3A_814 = tpu.memref_slice %arg3[%shift_right_arithmetic3A_801, %and3A_803, %dma_start3A_813] : memref<125000x8x64xf32, #tpu.memory_space<hbm>> -> memref<1x1x64xf32, #tpu.memory_space<hbm>>
        %dma_start3A_815 = tpu.memref_squeeze %dma_start3A_814 : memref<1x1x64xf32, #tpu.memory_space<hbm>> -> memref<64xf32, #tpu.memory_space<hbm>>
        tpu.enqueue_dma source(%dma_start3A_815 : memref<64xf32, #tpu.memory_space<hbm>>) target(%dma_start3A_812 : memref<64xf32, #tpu.memory_space<vmem>>) target_semaphore(%arg8 : memref<!tpu.dma_semaphore, #tpu.memory_space<semaphore_mem>>)
        %mul3A_816 = arith.constant 16 : i32
        %mul3A_817 = arith.muli %add3A_433, %mul3A_816 : i32
        %add3A_818 = arith.constant 13 : i32
        %add3A_819 = arith.addi %mul3A_817, %add3A_818 : i32
        %mul3A_820 = arith.constant 5243 : i32
        %mul3A_821 = arith.muli %add3A_819, %mul3A_820 : i32
        %shift_right_arithmetic3A_822 = arith.constant 18 : i32
        %shift_right_arithmetic3A_823 = arith.shrsi %mul3A_821, %shift_right_arithmetic3A_822 : i32
        %mul3A_824 = arith.constant 50 : i32
        %mul3A_825 = arith.muli %shift_right_arithmetic3A_823, %mul3A_824 : i32
        %sub3A_826 = arith.subi %add3A_819, %mul3A_825 : i32
        %slice3A_827 = vector.extract_strided_slice %get3A_439 {offsets = [13], sizes = [1], strides = [1]} : vector<16xi32> to vector<1xi32>
        %squeeze3A_828 = vector.extract %slice3A_827[0] : i32 from vector<1xi32>
        %shift_right_arithmetic3A_829 = arith.constant 3 : i32
        %shift_right_arithmetic3A_830 = arith.shrsi %squeeze3A_828, %shift_right_arithmetic3A_829 : i32
        %and3A_831 = arith.constant 7 : i32
        %and3A_832 = arith.andi %squeeze3A_828, %and3A_831 : i32
        %dma_start3A_833 = arith.constant 0 : i32
        %dma_start3A_834 = tpu.memref_slice %arg6[%select_n3A_60, %shift_right_arithmetic3A_823, %sub3A_826, %dma_start3A_833] : memref<2x8x50x64xf32, #tpu.memory_space<vmem>> -> memref<1x1x1x64xf32, #tpu.memory_space<vmem>>
        %dma_start3A_835 = tpu.memref_squeeze %dma_start3A_834 : memref<1x1x1x64xf32, #tpu.memory_space<vmem>> -> memref<64xf32, #tpu.memory_space<vmem>>
        %dma_start3A_836 = arith.constant 0 : i32
        %dma_start3A_837 = tpu.memref_slice %arg3[%shift_right_arithmetic3A_830, %and3A_832, %dma_start3A_836] : memref<125000x8x64xf32, #tpu.memory_space<hbm>> -> memref<1x1x64xf32, #tpu.memory_space<hbm>>
        %dma_start3A_838 = tpu.memref_squeeze %dma_start3A_837 : memref<1x1x64xf32, #tpu.memory_space<hbm>> -> memref<64xf32, #tpu.memory_space<hbm>>
        %dma_start3A_839 = arith.constant 0 : i32
        %dma_start3A_840 = tpu.memref_slice %arg6[%select_n3A_60, %shift_right_arithmetic3A_823, %sub3A_826, %dma_start3A_839] : memref<2x8x50x64xf32, #tpu.memory_space<vmem>> -> memref<1x1x1x64xf32, #tpu.memory_space<vmem>>
        %dma_start3A_841 = tpu.memref_squeeze %dma_start3A_840 : memref<1x1x1x64xf32, #tpu.memory_space<vmem>> -> memref<64xf32, #tpu.memory_space<vmem>>
        %dma_start3A_842 = arith.constant 0 : i32
        %dma_start3A_843 = tpu.memref_slice %arg3[%shift_right_arithmetic3A_830, %and3A_832, %dma_start3A_842] : memref<125000x8x64xf32, #tpu.memory_space<hbm>> -> memref<1x1x64xf32, #tpu.memory_space<hbm>>
        %dma_start3A_844 = tpu.memref_squeeze %dma_start3A_843 : memref<1x1x64xf32, #tpu.memory_space<hbm>> -> memref<64xf32, #tpu.memory_space<hbm>>
        tpu.enqueue_dma source(%dma_start3A_844 : memref<64xf32, #tpu.memory_space<hbm>>) target(%dma_start3A_841 : memref<64xf32, #tpu.memory_space<vmem>>) target_semaphore(%arg8 : memref<!tpu.dma_semaphore, #tpu.memory_space<semaphore_mem>>)
        %mul3A_845 = arith.constant 16 : i32
        %mul3A_846 = arith.muli %add3A_433, %mul3A_845 : i32
        %add3A_847 = arith.constant 14 : i32
        %add3A_848 = arith.addi %mul3A_846, %add3A_847 : i32
        %mul3A_849 = arith.constant 5243 : i32
        %mul3A_850 = arith.muli %add3A_848, %mul3A_849 : i32
        %shift_right_arithmetic3A_851 = arith.constant 18 : i32
        %shift_right_arithmetic3A_852 = arith.shrsi %mul3A_850, %shift_right_arithmetic3A_851 : i32
        %mul3A_853 = arith.constant 50 : i32
        %mul3A_854 = arith.muli %shift_right_arithmetic3A_852, %mul3A_853 : i32
        %sub3A_855 = arith.subi %add3A_848, %mul3A_854 : i32
        %slice3A_856 = vector.extract_strided_slice %get3A_439 {offsets = [14], sizes = [1], strides = [1]} : vector<16xi32> to vector<1xi32>
        %squeeze3A_857 = vector.extract %slice3A_856[0] : i32 from vector<1xi32>
        %shift_right_arithmetic3A_858 = arith.constant 3 : i32
        %shift_right_arithmetic3A_859 = arith.shrsi %squeeze3A_857, %shift_right_arithmetic3A_858 : i32
        %and3A_860 = arith.constant 7 : i32
        %and3A_861 = arith.andi %squeeze3A_857, %and3A_860 : i32
        %dma_start3A_862 = arith.constant 0 : i32
        %dma_start3A_863 = tpu.memref_slice %arg6[%select_n3A_60, %shift_right_arithmetic3A_852, %sub3A_855, %dma_start3A_862] : memref<2x8x50x64xf32, #tpu.memory_space<vmem>> -> memref<1x1x1x64xf32, #tpu.memory_space<vmem>>
        %dma_start3A_864 = tpu.memref_squeeze %dma_start3A_863 : memref<1x1x1x64xf32, #tpu.memory_space<vmem>> -> memref<64xf32, #tpu.memory_space<vmem>>
        %dma_start3A_865 = arith.constant 0 : i32
        %dma_start3A_866 = tpu.memref_slice %arg3[%shift_right_arithmetic3A_859, %and3A_861, %dma_start3A_865] : memref<125000x8x64xf32, #tpu.memory_space<hbm>> -> memref<1x1x64xf32, #tpu.memory_space<hbm>>
        %dma_start3A_867 = tpu.memref_squeeze %dma_start3A_866 : memref<1x1x64xf32, #tpu.memory_space<hbm>> -> memref<64xf32, #tpu.memory_space<hbm>>
        %dma_start3A_868 = arith.constant 0 : i32
        %dma_start3A_869 = tpu.memref_slice %arg6[%select_n3A_60, %shift_right_arithmetic3A_852, %sub3A_855, %dma_start3A_868] : memref<2x8x50x64xf32, #tpu.memory_space<vmem>> -> memref<1x1x1x64xf32, #tpu.memory_space<vmem>>
        %dma_start3A_870 = tpu.memref_squeeze %dma_start3A_869 : memref<1x1x1x64xf32, #tpu.memory_space<vmem>> -> memref<64xf32, #tpu.memory_space<vmem>>
        %dma_start3A_871 = arith.constant 0 : i32
        %dma_start3A_872 = tpu.memref_slice %arg3[%shift_right_arithmetic3A_859, %and3A_861, %dma_start3A_871] : memref<125000x8x64xf32, #tpu.memory_space<hbm>> -> memref<1x1x64xf32, #tpu.memory_space<hbm>>
        %dma_start3A_873 = tpu.memref_squeeze %dma_start3A_872 : memref<1x1x64xf32, #tpu.memory_space<hbm>> -> memref<64xf32, #tpu.memory_space<hbm>>
        tpu.enqueue_dma source(%dma_start3A_873 : memref<64xf32, #tpu.memory_space<hbm>>) target(%dma_start3A_870 : memref<64xf32, #tpu.memory_space<vmem>>) target_semaphore(%arg8 : memref<!tpu.dma_semaphore, #tpu.memory_space<semaphore_mem>>)
        %mul3A_874 = arith.constant 16 : i32
        %mul3A_875 = arith.muli %add3A_433, %mul3A_874 : i32
        %add3A_876 = arith.constant 15 : i32
        %add3A_877 = arith.addi %mul3A_875, %add3A_876 : i32
        %mul3A_878 = arith.constant 5243 : i32
        %mul3A_879 = arith.muli %add3A_877, %mul3A_878 : i32
        %shift_right_arithmetic3A_880 = arith.constant 18 : i32
        %shift_right_arithmetic3A_881 = arith.shrsi %mul3A_879, %shift_right_arithmetic3A_880 : i32
        %mul3A_882 = arith.constant 50 : i32
        %mul3A_883 = arith.muli %shift_right_arithmetic3A_881, %mul3A_882 : i32
        %sub3A_884 = arith.subi %add3A_877, %mul3A_883 : i32
        %slice3A_885 = vector.extract_strided_slice %get3A_439 {offsets = [15], sizes = [1], strides = [1]} : vector<16xi32> to vector<1xi32>
        %squeeze3A_886 = vector.extract %slice3A_885[0] : i32 from vector<1xi32>
        %shift_right_arithmetic3A_887 = arith.constant 3 : i32
        %shift_right_arithmetic3A_888 = arith.shrsi %squeeze3A_886, %shift_right_arithmetic3A_887 : i32
        %and3A_889 = arith.constant 7 : i32
        %and3A_890 = arith.andi %squeeze3A_886, %and3A_889 : i32
        %dma_start3A_891 = arith.constant 0 : i32
        %dma_start3A_892 = tpu.memref_slice %arg6[%select_n3A_60, %shift_right_arithmetic3A_881, %sub3A_884, %dma_start3A_891] : memref<2x8x50x64xf32, #tpu.memory_space<vmem>> -> memref<1x1x1x64xf32, #tpu.memory_space<vmem>>
        %dma_start3A_893 = tpu.memref_squeeze %dma_start3A_892 : memref<1x1x1x64xf32, #tpu.memory_space<vmem>> -> memref<64xf32, #tpu.memory_space<vmem>>
        %dma_start3A_894 = arith.constant 0 : i32
        %dma_start3A_895 = tpu.memref_slice %arg3[%shift_right_arithmetic3A_888, %and3A_890, %dma_start3A_894] : memref<125000x8x64xf32, #tpu.memory_space<hbm>> -> memref<1x1x64xf32, #tpu.memory_space<hbm>>
        %dma_start3A_896 = tpu.memref_squeeze %dma_start3A_895 : memref<1x1x64xf32, #tpu.memory_space<hbm>> -> memref<64xf32, #tpu.memory_space<hbm>>
        %dma_start3A_897 = arith.constant 0 : i32
        %dma_start3A_898 = tpu.memref_slice %arg6[%select_n3A_60, %shift_right_arithmetic3A_881, %sub3A_884, %dma_start3A_897] : memref<2x8x50x64xf32, #tpu.memory_space<vmem>> -> memref<1x1x1x64xf32, #tpu.memory_space<vmem>>
        %dma_start3A_899 = tpu.memref_squeeze %dma_start3A_898 : memref<1x1x1x64xf32, #tpu.memory_space<vmem>> -> memref<64xf32, #tpu.memory_space<vmem>>
        %dma_start3A_900 = arith.constant 0 : i32
        %dma_start3A_901 = tpu.memref_slice %arg3[%shift_right_arithmetic3A_888, %and3A_890, %dma_start3A_900] : memref<125000x8x64xf32, #tpu.memory_space<hbm>> -> memref<1x1x64xf32, #tpu.memory_space<hbm>>
        %dma_start3A_902 = tpu.memref_squeeze %dma_start3A_901 : memref<1x1x64xf32, #tpu.memory_space<hbm>> -> memref<64xf32, #tpu.memory_space<hbm>>
        tpu.enqueue_dma source(%dma_start3A_902 : memref<64xf32, #tpu.memory_space<hbm>>) target(%dma_start3A_899 : memref<64xf32, #tpu.memory_space<vmem>>) target_semaphore(%arg8 : memref<!tpu.dma_semaphore, #tpu.memory_space<semaphore_mem>>)
        %dma_wait3A_903 = arith.constant 0 : i32
        %dma_wait3A_904 = arith.constant 0 : i32
        %dma_wait3A_905 = arith.constant 0 : i32
        %dma_wait3A_906 = arith.constant 0 : i32
        %dma_wait3A_907 = tpu.memref_slice %arg6[%select_n3A_60, %dma_wait3A_904, %dma_wait3A_905, %dma_wait3A_906] : memref<2x8x50x64xf32, #tpu.memory_space<vmem>> -> memref<1x1x16x64xf32, #tpu.memory_space<vmem>>
        %dma_wait3A_908 = tpu.memref_squeeze %dma_wait3A_907 : memref<1x1x16x64xf32, #tpu.memory_space<vmem>> -> memref<16x64xf32, #tpu.memory_space<vmem>>
        %dma_wait3A_909 = arith.constant 0 : i32
        %dma_wait3A_910 = arith.constant 0 : i32
        %dma_wait3A_911 = tpu.memref_slice %arg4[%dma_wait3A_903, %dma_wait3A_909, %dma_wait3A_910] : memref<4096x50x64xf32, #tpu.memory_space<hbm>> -> memref<1x16x64xf32, #tpu.memory_space<hbm>>
        %dma_wait3A_912 = tpu.memref_squeeze %dma_wait3A_911 : memref<1x16x64xf32, #tpu.memory_space<hbm>> -> memref<16x64xf32, #tpu.memory_space<hbm>>
        %dma_wait3A_913 = arith.constant 0 : i32
        %dma_wait3A_914 = arith.constant 0 : i32
        %dma_wait3A_915 = tpu.memref_slice %arg6[%select_n3A_60, %dma_wait3A_904, %dma_wait3A_913, %dma_wait3A_914] : memref<2x8x50x64xf32, #tpu.memory_space<vmem>> -> memref<1x1x16x64xf32, #tpu.memory_space<vmem>>
        %dma_wait3A_916 = tpu.memref_squeeze %dma_wait3A_915 : memref<1x1x16x64xf32, #tpu.memory_space<vmem>> -> memref<16x64xf32, #tpu.memory_space<vmem>>
        %dma_wait3A_917 = arith.constant 0 : i32
        %dma_wait3A_918 = arith.constant 0 : i32
        %dma_wait3A_919 = tpu.memref_slice %arg4[%dma_wait3A_903, %dma_wait3A_917, %dma_wait3A_918] : memref<4096x50x64xf32, #tpu.memory_space<hbm>> -> memref<1x16x64xf32, #tpu.memory_space<hbm>>
        %dma_wait3A_920 = tpu.memref_squeeze %dma_wait3A_919 : memref<1x16x64xf32, #tpu.memory_space<hbm>> -> memref<16x64xf32, #tpu.memory_space<hbm>>
        tpu.wait_dma2 semaphore(%arg7 : memref<!tpu.dma_semaphore, #tpu.memory_space<semaphore_mem>>) src(%dma_wait3A_920 : memref<16x64xf32, #tpu.memory_space<hbm>>) dst(%dma_wait3A_916 : memref<16x64xf32, #tpu.memory_space<vmem>>)
        %mul3A_921 = arith.constant 2 : i32
        %mul3A_922 = arith.muli %scan3A_427, %mul3A_921 : i32
        %add3A_923 = arith.constant 1 : i32
        %add3A_924 = arith.addi %mul3A_922, %add3A_923 : i32
        %add3A_925 = arith.constant 1 : i32
        %add3A_926 = arith.addi %add3A_924, %add3A_925 : i32
        %mul3A_927 = arith.constant 16 : i32
        %mul3A_928 = arith.muli %add3A_926, %mul3A_927 : i32
        %get3A_929 = arith.index_cast %scan3A_51 : i32 to index
        %get3A_930 = arith.index_cast %mul3A_928 : i32 to index
        %get3A_931 = tpu.vector_load %arg5[%get3A_929, %get3A_930] {strides = array<i32>} : memref<16x400xi32, #tpu.memory_space<vmem>>, vector<1x16xi32>,
        %get3A_932 = vector.shape_cast %get3A_931 : vector<1x16xi32> to vector<16xi32>
        %mul3A_933 = arith.constant 16 : i32
        %mul3A_934 = arith.muli %add3A_926, %mul3A_933 : i32
        %add3A_935 = arith.constant 0 : i32
        %add3A_936 = arith.addi %mul3A_934, %add3A_935 : i32
        %mul3A_937 = arith.constant 5243 : i32
        %mul3A_938 = arith.muli %add3A_936, %mul3A_937 : i32
        %shift_right_arithmetic3A_939 = arith.constant 18 : i32
        %shift_right_arithmetic3A_940 = arith.shrsi %mul3A_938, %shift_right_arithmetic3A_939 : i32
        %mul3A_941 = arith.constant 50 : i32
        %mul3A_942 = arith.muli %shift_right_arithmetic3A_940, %mul3A_941 : i32
        %sub3A_943 = arith.subi %add3A_936, %mul3A_942 : i32
        %slice3A_944 = vector.extract_strided_slice %get3A_932 {offsets = [0], sizes = [1], strides = [1]} : vector<16xi32> to vector<1xi32>
        %squeeze3A_945 = vector.extract %slice3A_944[0] : i32 from vector<1xi32>
        %shift_right_arithmetic3A_946 = arith.constant 3 : i32
        %shift_right_arithmetic3A_947 = arith.shrsi %squeeze3A_945, %shift_right_arithmetic3A_946 : i32
        %and3A_948 = arith.constant 7 : i32
        %and3A_949 = arith.andi %squeeze3A_945, %and3A_948 : i32
        %dma_start3A_950 = arith.constant 0 : i32
        %dma_start3A_951 = tpu.memref_slice %arg6[%select_n3A_60, %shift_right_arithmetic3A_940, %sub3A_943, %dma_start3A_950] : memref<2x8x50x64xf32, #tpu.memory_space<vmem>> -> memref<1x1x1x64xf32, #tpu.memory_space<vmem>>
        %dma_start3A_952 = tpu.memref_squeeze %dma_start3A_951 : memref<1x1x1x64xf32, #tpu.memory_space<vmem>> -> memref<64xf32, #tpu.memory_space<vmem>>
        %dma_start3A_953 = arith.constant 0 : i32
        %dma_start3A_954 = tpu.memref_slice %arg3[%shift_right_arithmetic3A_947, %and3A_949, %dma_start3A_953] : memref<125000x8x64xf32, #tpu.memory_space<hbm>> -> memref<1x1x64xf32, #tpu.memory_space<hbm>>
        %dma_start3A_955 = tpu.memref_squeeze %dma_start3A_954 : memref<1x1x64xf32, #tpu.memory_space<hbm>> -> memref<64xf32, #tpu.memory_space<hbm>>
        %dma_start3A_956 = arith.constant 0 : i32
        %dma_start3A_957 = tpu.memref_slice %arg6[%select_n3A_60, %shift_right_arithmetic3A_940, %sub3A_943, %dma_start3A_956] : memref<2x8x50x64xf32, #tpu.memory_space<vmem>> -> memref<1x1x1x64xf32, #tpu.memory_space<vmem>>
        %dma_start3A_958 = tpu.memref_squeeze %dma_start3A_957 : memref<1x1x1x64xf32, #tpu.memory_space<vmem>> -> memref<64xf32, #tpu.memory_space<vmem>>
        %dma_start3A_959 = arith.constant 0 : i32
        %dma_start3A_960 = tpu.memref_slice %arg3[%shift_right_arithmetic3A_947, %and3A_949, %dma_start3A_959] : memref<125000x8x64xf32, #tpu.memory_space<hbm>> -> memref<1x1x64xf32, #tpu.memory_space<hbm>>
        %dma_start3A_961 = tpu.memref_squeeze %dma_start3A_960 : memref<1x1x64xf32, #tpu.memory_space<hbm>> -> memref<64xf32, #tpu.memory_space<hbm>>
        tpu.enqueue_dma source(%dma_start3A_961 : memref<64xf32, #tpu.memory_space<hbm>>) target(%dma_start3A_958 : memref<64xf32, #tpu.memory_space<vmem>>) target_semaphore(%arg7 : memref<!tpu.dma_semaphore, #tpu.memory_space<semaphore_mem>>)
        %mul3A_962 = arith.constant 16 : i32
        %mul3A_963 = arith.muli %add3A_926, %mul3A_962 : i32
        %add3A_964 = arith.constant 1 : i32
        %add3A_965 = arith.addi %mul3A_963, %add3A_964 : i32
        %mul3A_966 = arith.constant 5243 : i32
        %mul3A_967 = arith.muli %add3A_965, %mul3A_966 : i32
        %shift_right_arithmetic3A_968 = arith.constant 18 : i32
        %shift_right_arithmetic3A_969 = arith.shrsi %mul3A_967, %shift_right_arithmetic3A_968 : i32
        %mul3A_970 = arith.constant 50 : i32
        %mul3A_971 = arith.muli %shift_right_arithmetic3A_969, %mul3A_970 : i32
        %sub3A_972 = arith.subi %add3A_965, %mul3A_971 : i32
        %slice3A_973 = vector.extract_strided_slice %get3A_932 {offsets = [1], sizes = [1], strides = [1]} : vector<16xi32> to vector<1xi32>
        %squeeze3A_974 = vector.extract %slice3A_973[0] : i32 from vector<1xi32>
        %shift_right_arithmetic3A_975 = arith.constant 3 : i32
        %shift_right_arithmetic3A_976 = arith.shrsi %squeeze3A_974, %shift_right_arithmetic3A_975 : i32
        %and3A_977 = arith.constant 7 : i32
        %and3A_978 = arith.andi %squeeze3A_974, %and3A_977 : i32
        %dma_start3A_979 = arith.constant 0 : i32
        %dma_start3A_980 = tpu.memref_slice %arg6[%select_n3A_60, %shift_right_arithmetic3A_969, %sub3A_972, %dma_start3A_979] : memref<2x8x50x64xf32, #tpu.memory_space<vmem>> -> memref<1x1x1x64xf32, #tpu.memory_space<vmem>>
        %dma_start3A_981 = tpu.memref_squeeze %dma_start3A_980 : memref<1x1x1x64xf32, #tpu.memory_space<vmem>> -> memref<64xf32, #tpu.memory_space<vmem>>
        %dma_start3A_982 = arith.constant 0 : i32
        %dma_start3A_983 = tpu.memref_slice %arg3[%shift_right_arithmetic3A_976, %and3A_978, %dma_start3A_982] : memref<125000x8x64xf32, #tpu.memory_space<hbm>> -> memref<1x1x64xf32, #tpu.memory_space<hbm>>
        %dma_start3A_984 = tpu.memref_squeeze %dma_start3A_983 : memref<1x1x64xf32, #tpu.memory_space<hbm>> -> memref<64xf32, #tpu.memory_space<hbm>>
        %dma_start3A_985 = arith.constant 0 : i32
        %dma_start3A_986 = tpu.memref_slice %arg6[%select_n3A_60, %shift_right_arithmetic3A_969, %sub3A_972, %dma_start3A_985] : memref<2x8x50x64xf32, #tpu.memory_space<vmem>> -> memref<1x1x1x64xf32, #tpu.memory_space<vmem>>
        %dma_start3A_987 = tpu.memref_squeeze %dma_start3A_986 : memref<1x1x1x64xf32, #tpu.memory_space<vmem>> -> memref<64xf32, #tpu.memory_space<vmem>>
        %dma_start3A_988 = arith.constant 0 : i32
        %dma_start3A_989 = tpu.memref_slice %arg3[%shift_right_arithmetic3A_976, %and3A_978, %dma_start3A_988] : memref<125000x8x64xf32, #tpu.memory_space<hbm>> -> memref<1x1x64xf32, #tpu.memory_space<hbm>>
        %dma_start3A_990 = tpu.memref_squeeze %dma_start3A_989 : memref<1x1x64xf32, #tpu.memory_space<hbm>> -> memref<64xf32, #tpu.memory_space<hbm>>
        tpu.enqueue_dma source(%dma_start3A_990 : memref<64xf32, #tpu.memory_space<hbm>>) target(%dma_start3A_987 : memref<64xf32, #tpu.memory_space<vmem>>) target_semaphore(%arg7 : memref<!tpu.dma_semaphore, #tpu.memory_space<semaphore_mem>>)
        %mul3A_991 = arith.constant 16 : i32
        %mul3A_992 = arith.muli %add3A_926, %mul3A_991 : i32
        %add3A_993 = arith.constant 2 : i32
        %add3A_994 = arith.addi %mul3A_992, %add3A_993 : i32
        %mul3A_995 = arith.constant 5243 : i32
        %mul3A_996 = arith.muli %add3A_994, %mul3A_995 : i32
        %shift_right_arithmetic3A_997 = arith.constant 18 : i32
        %shift_right_arithmetic3A_998 = arith.shrsi %mul3A_996, %shift_right_arithmetic3A_997 : i32
        %mul3A_999 = arith.constant 50 : i32
        %mul3A_1000 = arith.muli %shift_right_arithmetic3A_998, %mul3A_999 : i32
        %sub3A_1001 = arith.subi %add3A_994, %mul3A_1000 : i32
        %slice3A_1002 = vector.extract_strided_slice %get3A_932 {offsets = [2], sizes = [1], strides = [1]} : vector<16xi32> to vector<1xi32>
        %squeeze3A_1003 = vector.extract %slice3A_1002[0] : i32 from vector<1xi32>
        %shift_right_arithmetic3A_1004 = arith.constant 3 : i32
        %shift_right_arithmetic3A_1005 = arith.shrsi %squeeze3A_1003, %shift_right_arithmetic3A_1004 : i32
        %and3A_1006 = arith.constant 7 : i32
        %and3A_1007 = arith.andi %squeeze3A_1003, %and3A_1006 : i32
        %dma_start3A_1008 = arith.constant 0 : i32
        %dma_start3A_1009 = tpu.memref_slice %arg6[%select_n3A_60, %shift_right_arithmetic3A_998, %sub3A_1001, %dma_start3A_1008] : memref<2x8x50x64xf32, #tpu.memory_space<vmem>> -> memref<1x1x1x64xf32, #tpu.memory_space<vmem>>
        %dma_start3A_1010 = tpu.memref_squeeze %dma_start3A_1009 : memref<1x1x1x64xf32, #tpu.memory_space<vmem>> -> memref<64xf32, #tpu.memory_space<vmem>>
        %dma_start3A_1011 = arith.constant 0 : i32
        %dma_start3A_1012 = tpu.memref_slice %arg3[%shift_right_arithmetic3A_1005, %and3A_1007, %dma_start3A_1011] : memref<125000x8x64xf32, #tpu.memory_space<hbm>> -> memref<1x1x64xf32, #tpu.memory_space<hbm>>
        %dma_start3A_1013 = tpu.memref_squeeze %dma_start3A_1012 : memref<1x1x64xf32, #tpu.memory_space<hbm>> -> memref<64xf32, #tpu.memory_space<hbm>>
        %dma_start3A_1014 = arith.constant 0 : i32
        %dma_start3A_1015 = tpu.memref_slice %arg6[%select_n3A_60, %shift_right_arithmetic3A_998, %sub3A_1001, %dma_start3A_1014] : memref<2x8x50x64xf32, #tpu.memory_space<vmem>> -> memref<1x1x1x64xf32, #tpu.memory_space<vmem>>
        %dma_start3A_1016 = tpu.memref_squeeze %dma_start3A_1015 : memref<1x1x1x64xf32, #tpu.memory_space<vmem>> -> memref<64xf32, #tpu.memory_space<vmem>>
        %dma_start3A_1017 = arith.constant 0 : i32
        %dma_start3A_1018 = tpu.memref_slice %arg3[%shift_right_arithmetic3A_1005, %and3A_1007, %dma_start3A_1017] : memref<125000x8x64xf32, #tpu.memory_space<hbm>> -> memref<1x1x64xf32, #tpu.memory_space<hbm>>
        %dma_start3A_1019 = tpu.memref_squeeze %dma_start3A_1018 : memref<1x1x64xf32, #tpu.memory_space<hbm>> -> memref<64xf32, #tpu.memory_space<hbm>>
        tpu.enqueue_dma source(%dma_start3A_1019 : memref<64xf32, #tpu.memory_space<hbm>>) target(%dma_start3A_1016 : memref<64xf32, #tpu.memory_space<vmem>>) target_semaphore(%arg7 : memref<!tpu.dma_semaphore, #tpu.memory_space<semaphore_mem>>)
        %mul3A_1020 = arith.constant 16 : i32
        %mul3A_1021 = arith.muli %add3A_926, %mul3A_1020 : i32
        %add3A_1022 = arith.constant 3 : i32
        %add3A_1023 = arith.addi %mul3A_1021, %add3A_1022 : i32
        %mul3A_1024 = arith.constant 5243 : i32
        %mul3A_1025 = arith.muli %add3A_1023, %mul3A_1024 : i32
        %shift_right_arithmetic3A_1026 = arith.constant 18 : i32
        %shift_right_arithmetic3A_1027 = arith.shrsi %mul3A_1025, %shift_right_arithmetic3A_1026 : i32
        %mul3A_1028 = arith.constant 50 : i32
        %mul3A_1029 = arith.muli %shift_right_arithmetic3A_1027, %mul3A_1028 : i32
        %sub3A_1030 = arith.subi %add3A_1023, %mul3A_1029 : i32
        %slice3A_1031 = vector.extract_strided_slice %get3A_932 {offsets = [3], sizes = [1], strides = [1]} : vector<16xi32> to vector<1xi32>
        %squeeze3A_1032 = vector.extract %slice3A_1031[0] : i32 from vector<1xi32>
        %shift_right_arithmetic3A_1033 = arith.constant 3 : i32
        %shift_right_arithmetic3A_1034 = arith.shrsi %squeeze3A_1032, %shift_right_arithmetic3A_1033 : i32
        %and3A_1035 = arith.constant 7 : i32
        %and3A_1036 = arith.andi %squeeze3A_1032, %and3A_1035 : i32
        %dma_start3A_1037 = arith.constant 0 : i32
        %dma_start3A_1038 = tpu.memref_slice %arg6[%select_n3A_60, %shift_right_arithmetic3A_1027, %sub3A_1030, %dma_start3A_1037] : memref<2x8x50x64xf32, #tpu.memory_space<vmem>> -> memref<1x1x1x64xf32, #tpu.memory_space<vmem>>
        %dma_start3A_1039 = tpu.memref_squeeze %dma_start3A_1038 : memref<1x1x1x64xf32, #tpu.memory_space<vmem>> -> memref<64xf32, #tpu.memory_space<vmem>>
        %dma_start3A_1040 = arith.constant 0 : i32
        %dma_start3A_1041 = tpu.memref_slice %arg3[%shift_right_arithmetic3A_1034, %and3A_1036, %dma_start3A_1040] : memref<125000x8x64xf32, #tpu.memory_space<hbm>> -> memref<1x1x64xf32, #tpu.memory_space<hbm>>
        %dma_start3A_1042 = tpu.memref_squeeze %dma_start3A_1041 : memref<1x1x64xf32, #tpu.memory_space<hbm>> -> memref<64xf32, #tpu.memory_space<hbm>>
        %dma_start3A_1043 = arith.constant 0 : i32
        %dma_start3A_1044 = tpu.memref_slice %arg6[%select_n3A_60, %shift_right_arithmetic3A_1027, %sub3A_1030, %dma_start3A_1043] : memref<2x8x50x64xf32, #tpu.memory_space<vmem>> -> memref<1x1x1x64xf32, #tpu.memory_space<vmem>>
        %dma_start3A_1045 = tpu.memref_squeeze %dma_start3A_1044 : memref<1x1x1x64xf32, #tpu.memory_space<vmem>> -> memref<64xf32, #tpu.memory_space<vmem>>
        %dma_start3A_1046 = arith.constant 0 : i32
        %dma_start3A_1047 = tpu.memref_slice %arg3[%shift_right_arithmetic3A_1034, %and3A_1036, %dma_start3A_1046] : memref<125000x8x64xf32, #tpu.memory_space<hbm>> -> memref<1x1x64xf32, #tpu.memory_space<hbm>>
        %dma_start3A_1048 = tpu.memref_squeeze %dma_start3A_1047 : memref<1x1x64xf32, #tpu.memory_space<hbm>> -> memref<64xf32, #tpu.memory_space<hbm>>
        tpu.enqueue_dma source(%dma_start3A_1048 : memref<64xf32, #tpu.memory_space<hbm>>) target(%dma_start3A_1045 : memref<64xf32, #tpu.memory_space<vmem>>) target_semaphore(%arg7 : memref<!tpu.dma_semaphore, #tpu.memory_space<semaphore_mem>>)
        %mul3A_1049 = arith.constant 16 : i32
        %mul3A_1050 = arith.muli %add3A_926, %mul3A_1049 : i32
        %add3A_1051 = arith.constant 4 : i32
        %add3A_1052 = arith.addi %mul3A_1050, %add3A_1051 : i32
        %mul3A_1053 = arith.constant 5243 : i32
        %mul3A_1054 = arith.muli %add3A_1052, %mul3A_1053 : i32
        %shift_right_arithmetic3A_1055 = arith.constant 18 : i32
        %shift_right_arithmetic3A_1056 = arith.shrsi %mul3A_1054, %shift_right_arithmetic3A_1055 : i32
        %mul3A_1057 = arith.constant 50 : i32
        %mul3A_1058 = arith.muli %shift_right_arithmetic3A_1056, %mul3A_1057 : i32
        %sub3A_1059 = arith.subi %add3A_1052, %mul3A_1058 : i32
        %slice3A_1060 = vector.extract_strided_slice %get3A_932 {offsets = [4], sizes = [1], strides = [1]} : vector<16xi32> to vector<1xi32>
        %squeeze3A_1061 = vector.extract %slice3A_1060[0] : i32 from vector<1xi32>
        %shift_right_arithmetic3A_1062 = arith.constant 3 : i32
        %shift_right_arithmetic3A_1063 = arith.shrsi %squeeze3A_1061, %shift_right_arithmetic3A_1062 : i32
        %and3A_1064 = arith.constant 7 : i32
        %and3A_1065 = arith.andi %squeeze3A_1061, %and3A_1064 : i32
        %dma_start3A_1066 = arith.constant 0 : i32
        %dma_start3A_1067 = tpu.memref_slice %arg6[%select_n3A_60, %shift_right_arithmetic3A_1056, %sub3A_1059, %dma_start3A_1066] : memref<2x8x50x64xf32, #tpu.memory_space<vmem>> -> memref<1x1x1x64xf32, #tpu.memory_space<vmem>>
        %dma_start3A_1068 = tpu.memref_squeeze %dma_start3A_1067 : memref<1x1x1x64xf32, #tpu.memory_space<vmem>> -> memref<64xf32, #tpu.memory_space<vmem>>
        %dma_start3A_1069 = arith.constant 0 : i32
        %dma_start3A_1070 = tpu.memref_slice %arg3[%shift_right_arithmetic3A_1063, %and3A_1065, %dma_start3A_1069] : memref<125000x8x64xf32, #tpu.memory_space<hbm>> -> memref<1x1x64xf32, #tpu.memory_space<hbm>>
        %dma_start3A_1071 = tpu.memref_squeeze %dma_start3A_1070 : memref<1x1x64xf32, #tpu.memory_space<hbm>> -> memref<64xf32, #tpu.memory_space<hbm>>
        %dma_start3A_1072 = arith.constant 0 : i32
        %dma_start3A_1073 = tpu.memref_slice %arg6[%select_n3A_60, %shift_right_arithmetic3A_1056, %sub3A_1059, %dma_start3A_1072] : memref<2x8x50x64xf32, #tpu.memory_space<vmem>> -> memref<1x1x1x64xf32, #tpu.memory_space<vmem>>
        %dma_start3A_1074 = tpu.memref_squeeze %dma_start3A_1073 : memref<1x1x1x64xf32, #tpu.memory_space<vmem>> -> memref<64xf32, #tpu.memory_space<vmem>>
        %dma_start3A_1075 = arith.constant 0 : i32
        %dma_start3A_1076 = tpu.memref_slice %arg3[%shift_right_arithmetic3A_1063, %and3A_1065, %dma_start3A_1075] : memref<125000x8x64xf32, #tpu.memory_space<hbm>> -> memref<1x1x64xf32, #tpu.memory_space<hbm>>
        %dma_start3A_1077 = tpu.memref_squeeze %dma_start3A_1076 : memref<1x1x64xf32, #tpu.memory_space<hbm>> -> memref<64xf32, #tpu.memory_space<hbm>>
        tpu.enqueue_dma source(%dma_start3A_1077 : memref<64xf32, #tpu.memory_space<hbm>>) target(%dma_start3A_1074 : memref<64xf32, #tpu.memory_space<vmem>>) target_semaphore(%arg7 : memref<!tpu.dma_semaphore, #tpu.memory_space<semaphore_mem>>)
        %mul3A_1078 = arith.constant 16 : i32
        %mul3A_1079 = arith.muli %add3A_926, %mul3A_1078 : i32
        %add3A_1080 = arith.constant 5 : i32
        %add3A_1081 = arith.addi %mul3A_1079, %add3A_1080 : i32
        %mul3A_1082 = arith.constant 5243 : i32
        %mul3A_1083 = arith.muli %add3A_1081, %mul3A_1082 : i32
        %shift_right_arithmetic3A_1084 = arith.constant 18 : i32
        %shift_right_arithmetic3A_1085 = arith.shrsi %mul3A_1083, %shift_right_arithmetic3A_1084 : i32
        %mul3A_1086 = arith.constant 50 : i32
        %mul3A_1087 = arith.muli %shift_right_arithmetic3A_1085, %mul3A_1086 : i32
        %sub3A_1088 = arith.subi %add3A_1081, %mul3A_1087 : i32
        %slice3A_1089 = vector.extract_strided_slice %get3A_932 {offsets = [5], sizes = [1], strides = [1]} : vector<16xi32> to vector<1xi32>
        %squeeze3A_1090 = vector.extract %slice3A_1089[0] : i32 from vector<1xi32>
        %shift_right_arithmetic3A_1091 = arith.constant 3 : i32
        %shift_right_arithmetic3A_1092 = arith.shrsi %squeeze3A_1090, %shift_right_arithmetic3A_1091 : i32
        %and3A_1093 = arith.constant 7 : i32
        %and3A_1094 = arith.andi %squeeze3A_1090, %and3A_1093 : i32
        %dma_start3A_1095 = arith.constant 0 : i32
        %dma_start3A_1096 = tpu.memref_slice %arg6[%select_n3A_60, %shift_right_arithmetic3A_1085, %sub3A_1088, %dma_start3A_1095] : memref<2x8x50x64xf32, #tpu.memory_space<vmem>> -> memref<1x1x1x64xf32, #tpu.memory_space<vmem>>
        %dma_start3A_1097 = tpu.memref_squeeze %dma_start3A_1096 : memref<1x1x1x64xf32, #tpu.memory_space<vmem>> -> memref<64xf32, #tpu.memory_space<vmem>>
        %dma_start3A_1098 = arith.constant 0 : i32
        %dma_start3A_1099 = tpu.memref_slice %arg3[%shift_right_arithmetic3A_1092, %and3A_1094, %dma_start3A_1098] : memref<125000x8x64xf32, #tpu.memory_space<hbm>> -> memref<1x1x64xf32, #tpu.memory_space<hbm>>
        %dma_start3A_1100 = tpu.memref_squeeze %dma_start3A_1099 : memref<1x1x64xf32, #tpu.memory_space<hbm>> -> memref<64xf32, #tpu.memory_space<hbm>>
        %dma_start3A_1101 = arith.constant 0 : i32
        %dma_start3A_1102 = tpu.memref_slice %arg6[%select_n3A_60, %shift_right_arithmetic3A_1085, %sub3A_1088, %dma_start3A_1101] : memref<2x8x50x64xf32, #tpu.memory_space<vmem>> -> memref<1x1x1x64xf32, #tpu.memory_space<vmem>>
        %dma_start3A_1103 = tpu.memref_squeeze %dma_start3A_1102 : memref<1x1x1x64xf32, #tpu.memory_space<vmem>> -> memref<64xf32, #tpu.memory_space<vmem>>
        %dma_start3A_1104 = arith.constant 0 : i32
        %dma_start3A_1105 = tpu.memref_slice %arg3[%shift_right_arithmetic3A_1092, %and3A_1094, %dma_start3A_1104] : memref<125000x8x64xf32, #tpu.memory_space<hbm>> -> memref<1x1x64xf32, #tpu.memory_space<hbm>>
        %dma_start3A_1106 = tpu.memref_squeeze %dma_start3A_1105 : memref<1x1x64xf32, #tpu.memory_space<hbm>> -> memref<64xf32, #tpu.memory_space<hbm>>
        tpu.enqueue_dma source(%dma_start3A_1106 : memref<64xf32, #tpu.memory_space<hbm>>) target(%dma_start3A_1103 : memref<64xf32, #tpu.memory_space<vmem>>) target_semaphore(%arg7 : memref<!tpu.dma_semaphore, #tpu.memory_space<semaphore_mem>>)
        %mul3A_1107 = arith.constant 16 : i32
        %mul3A_1108 = arith.muli %add3A_926, %mul3A_1107 : i32
        %add3A_1109 = arith.constant 6 : i32
        %add3A_1110 = arith.addi %mul3A_1108, %add3A_1109 : i32
        %mul3A_1111 = arith.constant 5243 : i32
        %mul3A_1112 = arith.muli %add3A_1110, %mul3A_1111 : i32
        %shift_right_arithmetic3A_1113 = arith.constant 18 : i32
        %shift_right_arithmetic3A_1114 = arith.shrsi %mul3A_1112, %shift_right_arithmetic3A_1113 : i32
        %mul3A_1115 = arith.constant 50 : i32
        %mul3A_1116 = arith.muli %shift_right_arithmetic3A_1114, %mul3A_1115 : i32
        %sub3A_1117 = arith.subi %add3A_1110, %mul3A_1116 : i32
        %slice3A_1118 = vector.extract_strided_slice %get3A_932 {offsets = [6], sizes = [1], strides = [1]} : vector<16xi32> to vector<1xi32>
        %squeeze3A_1119 = vector.extract %slice3A_1118[0] : i32 from vector<1xi32>
        %shift_right_arithmetic3A_1120 = arith.constant 3 : i32
        %shift_right_arithmetic3A_1121 = arith.shrsi %squeeze3A_1119, %shift_right_arithmetic3A_1120 : i32
        %and3A_1122 = arith.constant 7 : i32
        %and3A_1123 = arith.andi %squeeze3A_1119, %and3A_1122 : i32
        %dma_start3A_1124 = arith.constant 0 : i32
        %dma_start3A_1125 = tpu.memref_slice %arg6[%select_n3A_60, %shift_right_arithmetic3A_1114, %sub3A_1117, %dma_start3A_1124] : memref<2x8x50x64xf32, #tpu.memory_space<vmem>> -> memref<1x1x1x64xf32, #tpu.memory_space<vmem>>
        %dma_start3A_1126 = tpu.memref_squeeze %dma_start3A_1125 : memref<1x1x1x64xf32, #tpu.memory_space<vmem>> -> memref<64xf32, #tpu.memory_space<vmem>>
        %dma_start3A_1127 = arith.constant 0 : i32
        %dma_start3A_1128 = tpu.memref_slice %arg3[%shift_right_arithmetic3A_1121, %and3A_1123, %dma_start3A_1127] : memref<125000x8x64xf32, #tpu.memory_space<hbm>> -> memref<1x1x64xf32, #tpu.memory_space<hbm>>
        %dma_start3A_1129 = tpu.memref_squeeze %dma_start3A_1128 : memref<1x1x64xf32, #tpu.memory_space<hbm>> -> memref<64xf32, #tpu.memory_space<hbm>>
        %dma_start3A_1130 = arith.constant 0 : i32
        %dma_start3A_1131 = tpu.memref_slice %arg6[%select_n3A_60, %shift_right_arithmetic3A_1114, %sub3A_1117, %dma_start3A_1130] : memref<2x8x50x64xf32, #tpu.memory_space<vmem>> -> memref<1x1x1x64xf32, #tpu.memory_space<vmem>>
        %dma_start3A_1132 = tpu.memref_squeeze %dma_start3A_1131 : memref<1x1x1x64xf32, #tpu.memory_space<vmem>> -> memref<64xf32, #tpu.memory_space<vmem>>
        %dma_start3A_1133 = arith.constant 0 : i32
        %dma_start3A_1134 = tpu.memref_slice %arg3[%shift_right_arithmetic3A_1121, %and3A_1123, %dma_start3A_1133] : memref<125000x8x64xf32, #tpu.memory_space<hbm>> -> memref<1x1x64xf32, #tpu.memory_space<hbm>>
        %dma_start3A_1135 = tpu.memref_squeeze %dma_start3A_1134 : memref<1x1x64xf32, #tpu.memory_space<hbm>> -> memref<64xf32, #tpu.memory_space<hbm>>
        tpu.enqueue_dma source(%dma_start3A_1135 : memref<64xf32, #tpu.memory_space<hbm>>) target(%dma_start3A_1132 : memref<64xf32, #tpu.memory_space<vmem>>) target_semaphore(%arg7 : memref<!tpu.dma_semaphore, #tpu.memory_space<semaphore_mem>>)
        %mul3A_1136 = arith.constant 16 : i32
        %mul3A_1137 = arith.muli %add3A_926, %mul3A_1136 : i32
        %add3A_1138 = arith.constant 7 : i32
        %add3A_1139 = arith.addi %mul3A_1137, %add3A_1138 : i32
        %mul3A_1140 = arith.constant 5243 : i32
        %mul3A_1141 = arith.muli %add3A_1139, %mul3A_1140 : i32
        %shift_right_arithmetic3A_1142 = arith.constant 18 : i32
        %shift_right_arithmetic3A_1143 = arith.shrsi %mul3A_1141, %shift_right_arithmetic3A_1142 : i32
        %mul3A_1144 = arith.constant 50 : i32
        %mul3A_1145 = arith.muli %shift_right_arithmetic3A_1143, %mul3A_1144 : i32
        %sub3A_1146 = arith.subi %add3A_1139, %mul3A_1145 : i32
        %slice3A_1147 = vector.extract_strided_slice %get3A_932 {offsets = [7], sizes = [1], strides = [1]} : vector<16xi32> to vector<1xi32>
        %squeeze3A_1148 = vector.extract %slice3A_1147[0] : i32 from vector<1xi32>
        %shift_right_arithmetic3A_1149 = arith.constant 3 : i32
        %shift_right_arithmetic3A_1150 = arith.shrsi %squeeze3A_1148, %shift_right_arithmetic3A_1149 : i32
        %and3A_1151 = arith.constant 7 : i32
        %and3A_1152 = arith.andi %squeeze3A_1148, %and3A_1151 : i32
        %dma_start3A_1153 = arith.constant 0 : i32
        %dma_start3A_1154 = tpu.memref_slice %arg6[%select_n3A_60, %shift_right_arithmetic3A_1143, %sub3A_1146, %dma_start3A_1153] : memref<2x8x50x64xf32, #tpu.memory_space<vmem>> -> memref<1x1x1x64xf32, #tpu.memory_space<vmem>>
        %dma_start3A_1155 = tpu.memref_squeeze %dma_start3A_1154 : memref<1x1x1x64xf32, #tpu.memory_space<vmem>> -> memref<64xf32, #tpu.memory_space<vmem>>
        %dma_start3A_1156 = arith.constant 0 : i32
        %dma_start3A_1157 = tpu.memref_slice %arg3[%shift_right_arithmetic3A_1150, %and3A_1152, %dma_start3A_1156] : memref<125000x8x64xf32, #tpu.memory_space<hbm>> -> memref<1x1x64xf32, #tpu.memory_space<hbm>>
        %dma_start3A_1158 = tpu.memref_squeeze %dma_start3A_1157 : memref<1x1x64xf32, #tpu.memory_space<hbm>> -> memref<64xf32, #tpu.memory_space<hbm>>
        %dma_start3A_1159 = arith.constant 0 : i32
        %dma_start3A_1160 = tpu.memref_slice %arg6[%select_n3A_60, %shift_right_arithmetic3A_1143, %sub3A_1146, %dma_start3A_1159] : memref<2x8x50x64xf32, #tpu.memory_space<vmem>> -> memref<1x1x1x64xf32, #tpu.memory_space<vmem>>
        %dma_start3A_1161 = tpu.memref_squeeze %dma_start3A_1160 : memref<1x1x1x64xf32, #tpu.memory_space<vmem>> -> memref<64xf32, #tpu.memory_space<vmem>>
        %dma_start3A_1162 = arith.constant 0 : i32
        %dma_start3A_1163 = tpu.memref_slice %arg3[%shift_right_arithmetic3A_1150, %and3A_1152, %dma_start3A_1162] : memref<125000x8x64xf32, #tpu.memory_space<hbm>> -> memref<1x1x64xf32, #tpu.memory_space<hbm>>
        %dma_start3A_1164 = tpu.memref_squeeze %dma_start3A_1163 : memref<1x1x64xf32, #tpu.memory_space<hbm>> -> memref<64xf32, #tpu.memory_space<hbm>>
        tpu.enqueue_dma source(%dma_start3A_1164 : memref<64xf32, #tpu.memory_space<hbm>>) target(%dma_start3A_1161 : memref<64xf32, #tpu.memory_space<vmem>>) target_semaphore(%arg7 : memref<!tpu.dma_semaphore, #tpu.memory_space<semaphore_mem>>)
        %mul3A_1165 = arith.constant 16 : i32
        %mul3A_1166 = arith.muli %add3A_926, %mul3A_1165 : i32
        %add3A_1167 = arith.constant 8 : i32
        %add3A_1168 = arith.addi %mul3A_1166, %add3A_1167 : i32
        %mul3A_1169 = arith.constant 5243 : i32
        %mul3A_1170 = arith.muli %add3A_1168, %mul3A_1169 : i32
        %shift_right_arithmetic3A_1171 = arith.constant 18 : i32
        %shift_right_arithmetic3A_1172 = arith.shrsi %mul3A_1170, %shift_right_arithmetic3A_1171 : i32
        %mul3A_1173 = arith.constant 50 : i32
        %mul3A_1174 = arith.muli %shift_right_arithmetic3A_1172, %mul3A_1173 : i32
        %sub3A_1175 = arith.subi %add3A_1168, %mul3A_1174 : i32
        %slice3A_1176 = vector.extract_strided_slice %get3A_932 {offsets = [8], sizes = [1], strides = [1]} : vector<16xi32> to vector<1xi32>
        %squeeze3A_1177 = vector.extract %slice3A_1176[0] : i32 from vector<1xi32>
        %shift_right_arithmetic3A_1178 = arith.constant 3 : i32
        %shift_right_arithmetic3A_1179 = arith.shrsi %squeeze3A_1177, %shift_right_arithmetic3A_1178 : i32
        %and3A_1180 = arith.constant 7 : i32
        %and3A_1181 = arith.andi %squeeze3A_1177, %and3A_1180 : i32
        %dma_start3A_1182 = arith.constant 0 : i32
        %dma_start3A_1183 = tpu.memref_slice %arg6[%select_n3A_60, %shift_right_arithmetic3A_1172, %sub3A_1175, %dma_start3A_1182] : memref<2x8x50x64xf32, #tpu.memory_space<vmem>> -> memref<1x1x1x64xf32, #tpu.memory_space<vmem>>
        %dma_start3A_1184 = tpu.memref_squeeze %dma_start3A_1183 : memref<1x1x1x64xf32, #tpu.memory_space<vmem>> -> memref<64xf32, #tpu.memory_space<vmem>>
        %dma_start3A_1185 = arith.constant 0 : i32
        %dma_start3A_1186 = tpu.memref_slice %arg3[%shift_right_arithmetic3A_1179, %and3A_1181, %dma_start3A_1185] : memref<125000x8x64xf32, #tpu.memory_space<hbm>> -> memref<1x1x64xf32, #tpu.memory_space<hbm>>
        %dma_start3A_1187 = tpu.memref_squeeze %dma_start3A_1186 : memref<1x1x64xf32, #tpu.memory_space<hbm>> -> memref<64xf32, #tpu.memory_space<hbm>>
        %dma_start3A_1188 = arith.constant 0 : i32
        %dma_start3A_1189 = tpu.memref_slice %arg6[%select_n3A_60, %shift_right_arithmetic3A_1172, %sub3A_1175, %dma_start3A_1188] : memref<2x8x50x64xf32, #tpu.memory_space<vmem>> -> memref<1x1x1x64xf32, #tpu.memory_space<vmem>>
        %dma_start3A_1190 = tpu.memref_squeeze %dma_start3A_1189 : memref<1x1x1x64xf32, #tpu.memory_space<vmem>> -> memref<64xf32, #tpu.memory_space<vmem>>
        %dma_start3A_1191 = arith.constant 0 : i32
        %dma_start3A_1192 = tpu.memref_slice %arg3[%shift_right_arithmetic3A_1179, %and3A_1181, %dma_start3A_1191] : memref<125000x8x64xf32, #tpu.memory_space<hbm>> -> memref<1x1x64xf32, #tpu.memory_space<hbm>>
        %dma_start3A_1193 = tpu.memref_squeeze %dma_start3A_1192 : memref<1x1x64xf32, #tpu.memory_space<hbm>> -> memref<64xf32, #tpu.memory_space<hbm>>
        tpu.enqueue_dma source(%dma_start3A_1193 : memref<64xf32, #tpu.memory_space<hbm>>) target(%dma_start3A_1190 : memref<64xf32, #tpu.memory_space<vmem>>) target_semaphore(%arg7 : memref<!tpu.dma_semaphore, #tpu.memory_space<semaphore_mem>>)
        %mul3A_1194 = arith.constant 16 : i32
        %mul3A_1195 = arith.muli %add3A_926, %mul3A_1194 : i32
        %add3A_1196 = arith.constant 9 : i32
        %add3A_1197 = arith.addi %mul3A_1195, %add3A_1196 : i32
        %mul3A_1198 = arith.constant 5243 : i32
        %mul3A_1199 = arith.muli %add3A_1197, %mul3A_1198 : i32
        %shift_right_arithmetic3A_1200 = arith.constant 18 : i32
        %shift_right_arithmetic3A_1201 = arith.shrsi %mul3A_1199, %shift_right_arithmetic3A_1200 : i32
        %mul3A_1202 = arith.constant 50 : i32
        %mul3A_1203 = arith.muli %shift_right_arithmetic3A_1201, %mul3A_1202 : i32
        %sub3A_1204 = arith.subi %add3A_1197, %mul3A_1203 : i32
        %slice3A_1205 = vector.extract_strided_slice %get3A_932 {offsets = [9], sizes = [1], strides = [1]} : vector<16xi32> to vector<1xi32>
        %squeeze3A_1206 = vector.extract %slice3A_1205[0] : i32 from vector<1xi32>
        %shift_right_arithmetic3A_1207 = arith.constant 3 : i32
        %shift_right_arithmetic3A_1208 = arith.shrsi %squeeze3A_1206, %shift_right_arithmetic3A_1207 : i32
        %and3A_1209 = arith.constant 7 : i32
        %and3A_1210 = arith.andi %squeeze3A_1206, %and3A_1209 : i32
        %dma_start3A_1211 = arith.constant 0 : i32
        %dma_start3A_1212 = tpu.memref_slice %arg6[%select_n3A_60, %shift_right_arithmetic3A_1201, %sub3A_1204, %dma_start3A_1211] : memref<2x8x50x64xf32, #tpu.memory_space<vmem>> -> memref<1x1x1x64xf32, #tpu.memory_space<vmem>>
        %dma_start3A_1213 = tpu.memref_squeeze %dma_start3A_1212 : memref<1x1x1x64xf32, #tpu.memory_space<vmem>> -> memref<64xf32, #tpu.memory_space<vmem>>
        %dma_start3A_1214 = arith.constant 0 : i32
        %dma_start3A_1215 = tpu.memref_slice %arg3[%shift_right_arithmetic3A_1208, %and3A_1210, %dma_start3A_1214] : memref<125000x8x64xf32, #tpu.memory_space<hbm>> -> memref<1x1x64xf32, #tpu.memory_space<hbm>>
        %dma_start3A_1216 = tpu.memref_squeeze %dma_start3A_1215 : memref<1x1x64xf32, #tpu.memory_space<hbm>> -> memref<64xf32, #tpu.memory_space<hbm>>
        %dma_start3A_1217 = arith.constant 0 : i32
        %dma_start3A_1218 = tpu.memref_slice %arg6[%select_n3A_60, %shift_right_arithmetic3A_1201, %sub3A_1204, %dma_start3A_1217] : memref<2x8x50x64xf32, #tpu.memory_space<vmem>> -> memref<1x1x1x64xf32, #tpu.memory_space<vmem>>
        %dma_start3A_1219 = tpu.memref_squeeze %dma_start3A_1218 : memref<1x1x1x64xf32, #tpu.memory_space<vmem>> -> memref<64xf32, #tpu.memory_space<vmem>>
        %dma_start3A_1220 = arith.constant 0 : i32
        %dma_start3A_1221 = tpu.memref_slice %arg3[%shift_right_arithmetic3A_1208, %and3A_1210, %dma_start3A_1220] : memref<125000x8x64xf32, #tpu.memory_space<hbm>> -> memref<1x1x64xf32, #tpu.memory_space<hbm>>
        %dma_start3A_1222 = tpu.memref_squeeze %dma_start3A_1221 : memref<1x1x64xf32, #tpu.memory_space<hbm>> -> memref<64xf32, #tpu.memory_space<hbm>>
        tpu.enqueue_dma source(%dma_start3A_1222 : memref<64xf32, #tpu.memory_space<hbm>>) target(%dma_start3A_1219 : memref<64xf32, #tpu.memory_space<vmem>>) target_semaphore(%arg7 : memref<!tpu.dma_semaphore, #tpu.memory_space<semaphore_mem>>)
        %mul3A_1223 = arith.constant 16 : i32
        %mul3A_1224 = arith.muli %add3A_926, %mul3A_1223 : i32
        %add3A_1225 = arith.constant 10 : i32
        %add3A_1226 = arith.addi %mul3A_1224, %add3A_1225 : i32
        %mul3A_1227 = arith.constant 5243 : i32
        %mul3A_1228 = arith.muli %add3A_1226, %mul3A_1227 : i32
        %shift_right_arithmetic3A_1229 = arith.constant 18 : i32
        %shift_right_arithmetic3A_1230 = arith.shrsi %mul3A_1228, %shift_right_arithmetic3A_1229 : i32
        %mul3A_1231 = arith.constant 50 : i32
        %mul3A_1232 = arith.muli %shift_right_arithmetic3A_1230, %mul3A_1231 : i32
        %sub3A_1233 = arith.subi %add3A_1226, %mul3A_1232 : i32
        %slice3A_1234 = vector.extract_strided_slice %get3A_932 {offsets = [10], sizes = [1], strides = [1]} : vector<16xi32> to vector<1xi32>
        %squeeze3A_1235 = vector.extract %slice3A_1234[0] : i32 from vector<1xi32>
        %shift_right_arithmetic3A_1236 = arith.constant 3 : i32
        %shift_right_arithmetic3A_1237 = arith.shrsi %squeeze3A_1235, %shift_right_arithmetic3A_1236 : i32
        %and3A_1238 = arith.constant 7 : i32
        %and3A_1239 = arith.andi %squeeze3A_1235, %and3A_1238 : i32
        %dma_start3A_1240 = arith.constant 0 : i32
        %dma_start3A_1241 = tpu.memref_slice %arg6[%select_n3A_60, %shift_right_arithmetic3A_1230, %sub3A_1233, %dma_start3A_1240] : memref<2x8x50x64xf32, #tpu.memory_space<vmem>> -> memref<1x1x1x64xf32, #tpu.memory_space<vmem>>
        %dma_start3A_1242 = tpu.memref_squeeze %dma_start3A_1241 : memref<1x1x1x64xf32, #tpu.memory_space<vmem>> -> memref<64xf32, #tpu.memory_space<vmem>>
        %dma_start3A_1243 = arith.constant 0 : i32
        %dma_start3A_1244 = tpu.memref_slice %arg3[%shift_right_arithmetic3A_1237, %and3A_1239, %dma_start3A_1243] : memref<125000x8x64xf32, #tpu.memory_space<hbm>> -> memref<1x1x64xf32, #tpu.memory_space<hbm>>
        %dma_start3A_1245 = tpu.memref_squeeze %dma_start3A_1244 : memref<1x1x64xf32, #tpu.memory_space<hbm>> -> memref<64xf32, #tpu.memory_space<hbm>>
        %dma_start3A_1246 = arith.constant 0 : i32
        %dma_start3A_1247 = tpu.memref_slice %arg6[%select_n3A_60, %shift_right_arithmetic3A_1230, %sub3A_1233, %dma_start3A_1246] : memref<2x8x50x64xf32, #tpu.memory_space<vmem>> -> memref<1x1x1x64xf32, #tpu.memory_space<vmem>>
        %dma_start3A_1248 = tpu.memref_squeeze %dma_start3A_1247 : memref<1x1x1x64xf32, #tpu.memory_space<vmem>> -> memref<64xf32, #tpu.memory_space<vmem>>
        %dma_start3A_1249 = arith.constant 0 : i32
        %dma_start3A_1250 = tpu.memref_slice %arg3[%shift_right_arithmetic3A_1237, %and3A_1239, %dma_start3A_1249] : memref<125000x8x64xf32, #tpu.memory_space<hbm>> -> memref<1x1x64xf32, #tpu.memory_space<hbm>>
        %dma_start3A_1251 = tpu.memref_squeeze %dma_start3A_1250 : memref<1x1x64xf32, #tpu.memory_space<hbm>> -> memref<64xf32, #tpu.memory_space<hbm>>
        tpu.enqueue_dma source(%dma_start3A_1251 : memref<64xf32, #tpu.memory_space<hbm>>) target(%dma_start3A_1248 : memref<64xf32, #tpu.memory_space<vmem>>) target_semaphore(%arg7 : memref<!tpu.dma_semaphore, #tpu.memory_space<semaphore_mem>>)
        %mul3A_1252 = arith.constant 16 : i32
        %mul3A_1253 = arith.muli %add3A_926, %mul3A_1252 : i32
        %add3A_1254 = arith.constant 11 : i32
        %add3A_1255 = arith.addi %mul3A_1253, %add3A_1254 : i32
        %mul3A_1256 = arith.constant 5243 : i32
        %mul3A_1257 = arith.muli %add3A_1255, %mul3A_1256 : i32
        %shift_right_arithmetic3A_1258 = arith.constant 18 : i32
        %shift_right_arithmetic3A_1259 = arith.shrsi %mul3A_1257, %shift_right_arithmetic3A_1258 : i32
        %mul3A_1260 = arith.constant 50 : i32
        %mul3A_1261 = arith.muli %shift_right_arithmetic3A_1259, %mul3A_1260 : i32
        %sub3A_1262 = arith.subi %add3A_1255, %mul3A_1261 : i32
        %slice3A_1263 = vector.extract_strided_slice %get3A_932 {offsets = [11], sizes = [1], strides = [1]} : vector<16xi32> to vector<1xi32>
        %squeeze3A_1264 = vector.extract %slice3A_1263[0] : i32 from vector<1xi32>
        %shift_right_arithmetic3A_1265 = arith.constant 3 : i32
        %shift_right_arithmetic3A_1266 = arith.shrsi %squeeze3A_1264, %shift_right_arithmetic3A_1265 : i32
        %and3A_1267 = arith.constant 7 : i32
        %and3A_1268 = arith.andi %squeeze3A_1264, %and3A_1267 : i32
        %dma_start3A_1269 = arith.constant 0 : i32
        %dma_start3A_1270 = tpu.memref_slice %arg6[%select_n3A_60, %shift_right_arithmetic3A_1259, %sub3A_1262, %dma_start3A_1269] : memref<2x8x50x64xf32, #tpu.memory_space<vmem>> -> memref<1x1x1x64xf32, #tpu.memory_space<vmem>>
        %dma_start3A_1271 = tpu.memref_squeeze %dma_start3A_1270 : memref<1x1x1x64xf32, #tpu.memory_space<vmem>> -> memref<64xf32, #tpu.memory_space<vmem>>
        %dma_start3A_1272 = arith.constant 0 : i32
        %dma_start3A_1273 = tpu.memref_slice %arg3[%shift_right_arithmetic3A_1266, %and3A_1268, %dma_start3A_1272] : memref<125000x8x64xf32, #tpu.memory_space<hbm>> -> memref<1x1x64xf32, #tpu.memory_space<hbm>>
        %dma_start3A_1274 = tpu.memref_squeeze %dma_start3A_1273 : memref<1x1x64xf32, #tpu.memory_space<hbm>> -> memref<64xf32, #tpu.memory_space<hbm>>
        %dma_start3A_1275 = arith.constant 0 : i32
        %dma_start3A_1276 = tpu.memref_slice %arg6[%select_n3A_60, %shift_right_arithmetic3A_1259, %sub3A_1262, %dma_start3A_1275] : memref<2x8x50x64xf32, #tpu.memory_space<vmem>> -> memref<1x1x1x64xf32, #tpu.memory_space<vmem>>
        %dma_start3A_1277 = tpu.memref_squeeze %dma_start3A_1276 : memref<1x1x1x64xf32, #tpu.memory_space<vmem>> -> memref<64xf32, #tpu.memory_space<vmem>>
        %dma_start3A_1278 = arith.constant 0 : i32
        %dma_start3A_1279 = tpu.memref_slice %arg3[%shift_right_arithmetic3A_1266, %and3A_1268, %dma_start3A_1278] : memref<125000x8x64xf32, #tpu.memory_space<hbm>> -> memref<1x1x64xf32, #tpu.memory_space<hbm>>
        %dma_start3A_1280 = tpu.memref_squeeze %dma_start3A_1279 : memref<1x1x64xf32, #tpu.memory_space<hbm>> -> memref<64xf32, #tpu.memory_space<hbm>>
        tpu.enqueue_dma source(%dma_start3A_1280 : memref<64xf32, #tpu.memory_space<hbm>>) target(%dma_start3A_1277 : memref<64xf32, #tpu.memory_space<vmem>>) target_semaphore(%arg7 : memref<!tpu.dma_semaphore, #tpu.memory_space<semaphore_mem>>)
        %mul3A_1281 = arith.constant 16 : i32
        %mul3A_1282 = arith.muli %add3A_926, %mul3A_1281 : i32
        %add3A_1283 = arith.constant 12 : i32
        %add3A_1284 = arith.addi %mul3A_1282, %add3A_1283 : i32
        %mul3A_1285 = arith.constant 5243 : i32
        %mul3A_1286 = arith.muli %add3A_1284, %mul3A_1285 : i32
        %shift_right_arithmetic3A_1287 = arith.constant 18 : i32
        %shift_right_arithmetic3A_1288 = arith.shrsi %mul3A_1286, %shift_right_arithmetic3A_1287 : i32
        %mul3A_1289 = arith.constant 50 : i32
        %mul3A_1290 = arith.muli %shift_right_arithmetic3A_1288, %mul3A_1289 : i32
        %sub3A_1291 = arith.subi %add3A_1284, %mul3A_1290 : i32
        %slice3A_1292 = vector.extract_strided_slice %get3A_932 {offsets = [12], sizes = [1], strides = [1]} : vector<16xi32> to vector<1xi32>
        %squeeze3A_1293 = vector.extract %slice3A_1292[0] : i32 from vector<1xi32>
        %shift_right_arithmetic3A_1294 = arith.constant 3 : i32
        %shift_right_arithmetic3A_1295 = arith.shrsi %squeeze3A_1293, %shift_right_arithmetic3A_1294 : i32
        %and3A_1296 = arith.constant 7 : i32
        %and3A_1297 = arith.andi %squeeze3A_1293, %and3A_1296 : i32
        %dma_start3A_1298 = arith.constant 0 : i32
        %dma_start3A_1299 = tpu.memref_slice %arg6[%select_n3A_60, %shift_right_arithmetic3A_1288, %sub3A_1291, %dma_start3A_1298] : memref<2x8x50x64xf32, #tpu.memory_space<vmem>> -> memref<1x1x1x64xf32, #tpu.memory_space<vmem>>
        %dma_start3A_1300 = tpu.memref_squeeze %dma_start3A_1299 : memref<1x1x1x64xf32, #tpu.memory_space<vmem>> -> memref<64xf32, #tpu.memory_space<vmem>>
        %dma_start3A_1301 = arith.constant 0 : i32
        %dma_start3A_1302 = tpu.memref_slice %arg3[%shift_right_arithmetic3A_1295, %and3A_1297, %dma_start3A_1301] : memref<125000x8x64xf32, #tpu.memory_space<hbm>> -> memref<1x1x64xf32, #tpu.memory_space<hbm>>
        %dma_start3A_1303 = tpu.memref_squeeze %dma_start3A_1302 : memref<1x1x64xf32, #tpu.memory_space<hbm>> -> memref<64xf32, #tpu.memory_space<hbm>>
        %dma_start3A_1304 = arith.constant 0 : i32
        %dma_start3A_1305 = tpu.memref_slice %arg6[%select_n3A_60, %shift_right_arithmetic3A_1288, %sub3A_1291, %dma_start3A_1304] : memref<2x8x50x64xf32, #tpu.memory_space<vmem>> -> memref<1x1x1x64xf32, #tpu.memory_space<vmem>>
        %dma_start3A_1306 = tpu.memref_squeeze %dma_start3A_1305 : memref<1x1x1x64xf32, #tpu.memory_space<vmem>> -> memref<64xf32, #tpu.memory_space<vmem>>
        %dma_start3A_1307 = arith.constant 0 : i32
        %dma_start3A_1308 = tpu.memref_slice %arg3[%shift_right_arithmetic3A_1295, %and3A_1297, %dma_start3A_1307] : memref<125000x8x64xf32, #tpu.memory_space<hbm>> -> memref<1x1x64xf32, #tpu.memory_space<hbm>>
        %dma_start3A_1309 = tpu.memref_squeeze %dma_start3A_1308 : memref<1x1x64xf32, #tpu.memory_space<hbm>> -> memref<64xf32, #tpu.memory_space<hbm>>
        tpu.enqueue_dma source(%dma_start3A_1309 : memref<64xf32, #tpu.memory_space<hbm>>) target(%dma_start3A_1306 : memref<64xf32, #tpu.memory_space<vmem>>) target_semaphore(%arg7 : memref<!tpu.dma_semaphore, #tpu.memory_space<semaphore_mem>>)
        %mul3A_1310 = arith.constant 16 : i32
        %mul3A_1311 = arith.muli %add3A_926, %mul3A_1310 : i32
        %add3A_1312 = arith.constant 13 : i32
        %add3A_1313 = arith.addi %mul3A_1311, %add3A_1312 : i32
        %mul3A_1314 = arith.constant 5243 : i32
        %mul3A_1315 = arith.muli %add3A_1313, %mul3A_1314 : i32
        %shift_right_arithmetic3A_1316 = arith.constant 18 : i32
        %shift_right_arithmetic3A_1317 = arith.shrsi %mul3A_1315, %shift_right_arithmetic3A_1316 : i32
        %mul3A_1318 = arith.constant 50 : i32
        %mul3A_1319 = arith.muli %shift_right_arithmetic3A_1317, %mul3A_1318 : i32
        %sub3A_1320 = arith.subi %add3A_1313, %mul3A_1319 : i32
        %slice3A_1321 = vector.extract_strided_slice %get3A_932 {offsets = [13], sizes = [1], strides = [1]} : vector<16xi32> to vector<1xi32>
        %squeeze3A_1322 = vector.extract %slice3A_1321[0] : i32 from vector<1xi32>
        %shift_right_arithmetic3A_1323 = arith.constant 3 : i32
        %shift_right_arithmetic3A_1324 = arith.shrsi %squeeze3A_1322, %shift_right_arithmetic3A_1323 : i32
        %and3A_1325 = arith.constant 7 : i32
        %and3A_1326 = arith.andi %squeeze3A_1322, %and3A_1325 : i32
        %dma_start3A_1327 = arith.constant 0 : i32
        %dma_start3A_1328 = tpu.memref_slice %arg6[%select_n3A_60, %shift_right_arithmetic3A_1317, %sub3A_1320, %dma_start3A_1327] : memref<2x8x50x64xf32, #tpu.memory_space<vmem>> -> memref<1x1x1x64xf32, #tpu.memory_space<vmem>>
        %dma_start3A_1329 = tpu.memref_squeeze %dma_start3A_1328 : memref<1x1x1x64xf32, #tpu.memory_space<vmem>> -> memref<64xf32, #tpu.memory_space<vmem>>
        %dma_start3A_1330 = arith.constant 0 : i32
        %dma_start3A_1331 = tpu.memref_slice %arg3[%shift_right_arithmetic3A_1324, %and3A_1326, %dma_start3A_1330] : memref<125000x8x64xf32, #tpu.memory_space<hbm>> -> memref<1x1x64xf32, #tpu.memory_space<hbm>>
        %dma_start3A_1332 = tpu.memref_squeeze %dma_start3A_1331 : memref<1x1x64xf32, #tpu.memory_space<hbm>> -> memref<64xf32, #tpu.memory_space<hbm>>
        %dma_start3A_1333 = arith.constant 0 : i32
        %dma_start3A_1334 = tpu.memref_slice %arg6[%select_n3A_60, %shift_right_arithmetic3A_1317, %sub3A_1320, %dma_start3A_1333] : memref<2x8x50x64xf32, #tpu.memory_space<vmem>> -> memref<1x1x1x64xf32, #tpu.memory_space<vmem>>
        %dma_start3A_1335 = tpu.memref_squeeze %dma_start3A_1334 : memref<1x1x1x64xf32, #tpu.memory_space<vmem>> -> memref<64xf32, #tpu.memory_space<vmem>>
        %dma_start3A_1336 = arith.constant 0 : i32
        %dma_start3A_1337 = tpu.memref_slice %arg3[%shift_right_arithmetic3A_1324, %and3A_1326, %dma_start3A_1336] : memref<125000x8x64xf32, #tpu.memory_space<hbm>> -> memref<1x1x64xf32, #tpu.memory_space<hbm>>
        %dma_start3A_1338 = tpu.memref_squeeze %dma_start3A_1337 : memref<1x1x64xf32, #tpu.memory_space<hbm>> -> memref<64xf32, #tpu.memory_space<hbm>>
        tpu.enqueue_dma source(%dma_start3A_1338 : memref<64xf32, #tpu.memory_space<hbm>>) target(%dma_start3A_1335 : memref<64xf32, #tpu.memory_space<vmem>>) target_semaphore(%arg7 : memref<!tpu.dma_semaphore, #tpu.memory_space<semaphore_mem>>)
        %mul3A_1339 = arith.constant 16 : i32
        %mul3A_1340 = arith.muli %add3A_926, %mul3A_1339 : i32
        %add3A_1341 = arith.constant 14 : i32
        %add3A_1342 = arith.addi %mul3A_1340, %add3A_1341 : i32
        %mul3A_1343 = arith.constant 5243 : i32
        %mul3A_1344 = arith.muli %add3A_1342, %mul3A_1343 : i32
        %shift_right_arithmetic3A_1345 = arith.constant 18 : i32
        %shift_right_arithmetic3A_1346 = arith.shrsi %mul3A_1344, %shift_right_arithmetic3A_1345 : i32
        %mul3A_1347 = arith.constant 50 : i32
        %mul3A_1348 = arith.muli %shift_right_arithmetic3A_1346, %mul3A_1347 : i32
        %sub3A_1349 = arith.subi %add3A_1342, %mul3A_1348 : i32
        %slice3A_1350 = vector.extract_strided_slice %get3A_932 {offsets = [14], sizes = [1], strides = [1]} : vector<16xi32> to vector<1xi32>
        %squeeze3A_1351 = vector.extract %slice3A_1350[0] : i32 from vector<1xi32>
        %shift_right_arithmetic3A_1352 = arith.constant 3 : i32
        %shift_right_arithmetic3A_1353 = arith.shrsi %squeeze3A_1351, %shift_right_arithmetic3A_1352 : i32
        %and3A_1354 = arith.constant 7 : i32
        %and3A_1355 = arith.andi %squeeze3A_1351, %and3A_1354 : i32
        %dma_start3A_1356 = arith.constant 0 : i32
        %dma_start3A_1357 = tpu.memref_slice %arg6[%select_n3A_60, %shift_right_arithmetic3A_1346, %sub3A_1349, %dma_start3A_1356] : memref<2x8x50x64xf32, #tpu.memory_space<vmem>> -> memref<1x1x1x64xf32, #tpu.memory_space<vmem>>
        %dma_start3A_1358 = tpu.memref_squeeze %dma_start3A_1357 : memref<1x1x1x64xf32, #tpu.memory_space<vmem>> -> memref<64xf32, #tpu.memory_space<vmem>>
        %dma_start3A_1359 = arith.constant 0 : i32
        %dma_start3A_1360 = tpu.memref_slice %arg3[%shift_right_arithmetic3A_1353, %and3A_1355, %dma_start3A_1359] : memref<125000x8x64xf32, #tpu.memory_space<hbm>> -> memref<1x1x64xf32, #tpu.memory_space<hbm>>
        %dma_start3A_1361 = tpu.memref_squeeze %dma_start3A_1360 : memref<1x1x64xf32, #tpu.memory_space<hbm>> -> memref<64xf32, #tpu.memory_space<hbm>>
        %dma_start3A_1362 = arith.constant 0 : i32
        %dma_start3A_1363 = tpu.memref_slice %arg6[%select_n3A_60, %shift_right_arithmetic3A_1346, %sub3A_1349, %dma_start3A_1362] : memref<2x8x50x64xf32, #tpu.memory_space<vmem>> -> memref<1x1x1x64xf32, #tpu.memory_space<vmem>>
        %dma_start3A_1364 = tpu.memref_squeeze %dma_start3A_1363 : memref<1x1x1x64xf32, #tpu.memory_space<vmem>> -> memref<64xf32, #tpu.memory_space<vmem>>
        %dma_start3A_1365 = arith.constant 0 : i32
        %dma_start3A_1366 = tpu.memref_slice %arg3[%shift_right_arithmetic3A_1353, %and3A_1355, %dma_start3A_1365] : memref<125000x8x64xf32, #tpu.memory_space<hbm>> -> memref<1x1x64xf32, #tpu.memory_space<hbm>>
        %dma_start3A_1367 = tpu.memref_squeeze %dma_start3A_1366 : memref<1x1x64xf32, #tpu.memory_space<hbm>> -> memref<64xf32, #tpu.memory_space<hbm>>
        tpu.enqueue_dma source(%dma_start3A_1367 : memref<64xf32, #tpu.memory_space<hbm>>) target(%dma_start3A_1364 : memref<64xf32, #tpu.memory_space<vmem>>) target_semaphore(%arg7 : memref<!tpu.dma_semaphore, #tpu.memory_space<semaphore_mem>>)
        %mul3A_1368 = arith.constant 16 : i32
        %mul3A_1369 = arith.muli %add3A_926, %mul3A_1368 : i32
        %add3A_1370 = arith.constant 15 : i32
        %add3A_1371 = arith.addi %mul3A_1369, %add3A_1370 : i32
        %mul3A_1372 = arith.constant 5243 : i32
        %mul3A_1373 = arith.muli %add3A_1371, %mul3A_1372 : i32
        %shift_right_arithmetic3A_1374 = arith.constant 18 : i32
        %shift_right_arithmetic3A_1375 = arith.shrsi %mul3A_1373, %shift_right_arithmetic3A_1374 : i32
        %mul3A_1376 = arith.constant 50 : i32
        %mul3A_1377 = arith.muli %shift_right_arithmetic3A_1375, %mul3A_1376 : i32
        %sub3A_1378 = arith.subi %add3A_1371, %mul3A_1377 : i32
        %slice3A_1379 = vector.extract_strided_slice %get3A_932 {offsets = [15], sizes = [1], strides = [1]} : vector<16xi32> to vector<1xi32>
        %squeeze3A_1380 = vector.extract %slice3A_1379[0] : i32 from vector<1xi32>
        %shift_right_arithmetic3A_1381 = arith.constant 3 : i32
        %shift_right_arithmetic3A_1382 = arith.shrsi %squeeze3A_1380, %shift_right_arithmetic3A_1381 : i32
        %and3A_1383 = arith.constant 7 : i32
        %and3A_1384 = arith.andi %squeeze3A_1380, %and3A_1383 : i32
        %dma_start3A_1385 = arith.constant 0 : i32
        %dma_start3A_1386 = tpu.memref_slice %arg6[%select_n3A_60, %shift_right_arithmetic3A_1375, %sub3A_1378, %dma_start3A_1385] : memref<2x8x50x64xf32, #tpu.memory_space<vmem>> -> memref<1x1x1x64xf32, #tpu.memory_space<vmem>>
        %dma_start3A_1387 = tpu.memref_squeeze %dma_start3A_1386 : memref<1x1x1x64xf32, #tpu.memory_space<vmem>> -> memref<64xf32, #tpu.memory_space<vmem>>
        %dma_start3A_1388 = arith.constant 0 : i32
        %dma_start3A_1389 = tpu.memref_slice %arg3[%shift_right_arithmetic3A_1382, %and3A_1384, %dma_start3A_1388] : memref<125000x8x64xf32, #tpu.memory_space<hbm>> -> memref<1x1x64xf32, #tpu.memory_space<hbm>>
        %dma_start3A_1390 = tpu.memref_squeeze %dma_start3A_1389 : memref<1x1x64xf32, #tpu.memory_space<hbm>> -> memref<64xf32, #tpu.memory_space<hbm>>
        %dma_start3A_1391 = arith.constant 0 : i32
        %dma_start3A_1392 = tpu.memref_slice %arg6[%select_n3A_60, %shift_right_arithmetic3A_1375, %sub3A_1378, %dma_start3A_1391] : memref<2x8x50x64xf32, #tpu.memory_space<vmem>> -> memref<1x1x1x64xf32, #tpu.memory_space<vmem>>
        %dma_start3A_1393 = tpu.memref_squeeze %dma_start3A_1392 : memref<1x1x1x64xf32, #tpu.memory_space<vmem>> -> memref<64xf32, #tpu.memory_space<vmem>>
        %dma_start3A_1394 = arith.constant 0 : i32
        %dma_start3A_1395 = tpu.memref_slice %arg3[%shift_right_arithmetic3A_1382, %and3A_1384, %dma_start3A_1394] : memref<125000x8x64xf32, #tpu.memory_space<hbm>> -> memref<1x1x64xf32, #tpu.memory_space<hbm>>
        %dma_start3A_1396 = tpu.memref_squeeze %dma_start3A_1395 : memref<1x1x64xf32, #tpu.memory_space<hbm>> -> memref<64xf32, #tpu.memory_space<hbm>>
        tpu.enqueue_dma source(%dma_start3A_1396 : memref<64xf32, #tpu.memory_space<hbm>>) target(%dma_start3A_1393 : memref<64xf32, #tpu.memory_space<vmem>>) target_semaphore(%arg7 : memref<!tpu.dma_semaphore, #tpu.memory_space<semaphore_mem>>)
        %dma_wait3A_1397 = arith.constant 0 : i32
        %dma_wait3A_1398 = arith.constant 0 : i32
        %dma_wait3A_1399 = arith.constant 0 : i32
        %dma_wait3A_1400 = arith.constant 0 : i32
        %dma_wait3A_1401 = tpu.memref_slice %arg6[%select_n3A_60, %dma_wait3A_1398, %dma_wait3A_1399, %dma_wait3A_1400] : memref<2x8x50x64xf32, #tpu.memory_space<vmem>> -> memref<1x1x16x64xf32, #tpu.memory_space<vmem>>
        %dma_wait3A_1402 = tpu.memref_squeeze %dma_wait3A_1401 : memref<1x1x16x64xf32, #tpu.memory_space<vmem>> -> memref<16x64xf32, #tpu.memory_space<vmem>>
        %dma_wait3A_1403 = arith.constant 0 : i32
        %dma_wait3A_1404 = arith.constant 0 : i32
        %dma_wait3A_1405 = tpu.memref_slice %arg4[%dma_wait3A_1397, %dma_wait3A_1403, %dma_wait3A_1404] : memref<4096x50x64xf32, #tpu.memory_space<hbm>> -> memref<1x16x64xf32, #tpu.memory_space<hbm>>
        %dma_wait3A_1406 = tpu.memref_squeeze %dma_wait3A_1405 : memref<1x16x64xf32, #tpu.memory_space<hbm>> -> memref<16x64xf32, #tpu.memory_space<hbm>>
        %dma_wait3A_1407 = arith.constant 0 : i32
        %dma_wait3A_1408 = arith.constant 0 : i32
        %dma_wait3A_1409 = tpu.memref_slice %arg6[%select_n3A_60, %dma_wait3A_1398, %dma_wait3A_1407, %dma_wait3A_1408] : memref<2x8x50x64xf32, #tpu.memory_space<vmem>> -> memref<1x1x16x64xf32, #tpu.memory_space<vmem>>
        %dma_wait3A_1410 = tpu.memref_squeeze %dma_wait3A_1409 : memref<1x1x16x64xf32, #tpu.memory_space<vmem>> -> memref<16x64xf32, #tpu.memory_space<vmem>>
        %dma_wait3A_1411 = arith.constant 0 : i32
        %dma_wait3A_1412 = arith.constant 0 : i32
        %dma_wait3A_1413 = tpu.memref_slice %arg4[%dma_wait3A_1397, %dma_wait3A_1411, %dma_wait3A_1412] : memref<4096x50x64xf32, #tpu.memory_space<hbm>> -> memref<1x16x64xf32, #tpu.memory_space<hbm>>
        %dma_wait3A_1414 = tpu.memref_squeeze %dma_wait3A_1413 : memref<1x16x64xf32, #tpu.memory_space<hbm>> -> memref<16x64xf32, #tpu.memory_space<hbm>>
        tpu.wait_dma2 semaphore(%arg8 : memref<!tpu.dma_semaphore, #tpu.memory_space<semaphore_mem>>) src(%dma_wait3A_1414 : memref<16x64xf32, #tpu.memory_space<hbm>>) dst(%dma_wait3A_1410 : memref<16x64xf32, #tpu.memory_space<vmem>>)
      }
      %scan3A_387 = arith.constant 12 : i32
      %dma_wait3A_388 = arith.constant 0 : i32
      %dma_wait3A_389 = arith.constant 0 : i32
      %dma_wait3A_390 = arith.constant 0 : i32
      %dma_wait3A_391 = arith.constant 0 : i32
      %dma_wait3A_392 = tpu.memref_slice %arg6[%select_n3A_60, %dma_wait3A_389, %dma_wait3A_390, %dma_wait3A_391] : memref<2x8x50x64xf32, #tpu.memory_space<vmem>> -> memref<1x1x16x64xf32, #tpu.memory_space<vmem>>
      %dma_wait3A_393 = tpu.memref_squeeze %dma_wait3A_392 : memref<1x1x16x64xf32, #tpu.memory_space<vmem>> -> memref<16x64xf32, #tpu.memory_space<vmem>>
      %dma_wait3A_394 = arith.constant 0 : i32
      %dma_wait3A_395 = arith.constant 0 : i32
      %dma_wait3A_396 = tpu.memref_slice %arg4[%dma_wait3A_388, %dma_wait3A_394, %dma_wait3A_395] : memref<4096x50x64xf32, #tpu.memory_space<hbm>> -> memref<1x16x64xf32, #tpu.memory_space<hbm>>
      %dma_wait3A_397 = tpu.memref_squeeze %dma_wait3A_396 : memref<1x16x64xf32, #tpu.memory_space<hbm>> -> memref<16x64xf32, #tpu.memory_space<hbm>>
      %dma_wait3A_398 = arith.constant 0 : i32
      %dma_wait3A_399 = arith.constant 0 : i32
      %dma_wait3A_400 = tpu.memref_slice %arg6[%select_n3A_60, %dma_wait3A_389, %dma_wait3A_398, %dma_wait3A_399] : memref<2x8x50x64xf32, #tpu.memory_space<vmem>> -> memref<1x1x16x64xf32, #tpu.memory_space<vmem>>
      %dma_wait3A_401 = tpu.memref_squeeze %dma_wait3A_400 : memref<1x1x16x64xf32, #tpu.memory_space<vmem>> -> memref<16x64xf32, #tpu.memory_space<vmem>>
      %dma_wait3A_402 = arith.constant 0 : i32
      %dma_wait3A_403 = arith.constant 0 : i32
      %dma_wait3A_404 = tpu.memref_slice %arg4[%dma_wait3A_388, %dma_wait3A_402, %dma_wait3A_403] : memref<4096x50x64xf32, #tpu.memory_space<hbm>> -> memref<1x16x64xf32, #tpu.memory_space<hbm>>
      %dma_wait3A_405 = tpu.memref_squeeze %dma_wait3A_404 : memref<1x16x64xf32, #tpu.memory_space<hbm>> -> memref<16x64xf32, #tpu.memory_space<hbm>>
      tpu.wait_dma2 semaphore(%arg7 : memref<!tpu.dma_semaphore, #tpu.memory_space<semaphore_mem>>) src(%dma_wait3A_405 : memref<16x64xf32, #tpu.memory_space<hbm>>) dst(%dma_wait3A_401 : memref<16x64xf32, #tpu.memory_space<vmem>>)
      %mul3A_406 = arith.constant 16 : i32
      %mul3A_407 = arith.muli %add3A, %mul3A_406 : i32
      %add3A_408 = arith.addi %mul3A_407, %scan3A_51 : i32
      %mul3A_409 = arith.constant 8 : i32
      %mul3A_410 = arith.muli %add3A_408, %mul3A_409 : i32
      %dma_start3A_411 = arith.constant 0 : i32
      %dma_start3A_412 = arith.constant 0 : i32
      %dma_start3A_413 = arith.constant 0 : i32
      %dma_start3A_414 = tpu.memref_slice %arg6[%select_n3A_60, %dma_start3A_411, %dma_start3A_412, %dma_start3A_413] : memref<2x8x50x64xf32, #tpu.memory_space<vmem>> -> memref<1x8x50x64xf32, #tpu.memory_space<vmem>>
      %dma_start3A_415 = tpu.memref_squeeze %dma_start3A_414 : memref<1x8x50x64xf32, #tpu.memory_space<vmem>> -> memref<8x50x64xf32, #tpu.memory_space<vmem>>
      %dma_start3A_416 = arith.constant 0 : i32
      %dma_start3A_417 = arith.constant 0 : i32
      %dma_start3A_418 = tpu.memref_slice %arg4[%mul3A_410, %dma_start3A_416, %dma_start3A_417] : memref<4096x50x64xf32, #tpu.memory_space<hbm>> -> memref<8x50x64xf32, #tpu.memory_space<hbm>>
      %dma_start3A_419 = arith.constant 0 : i32
      %dma_start3A_420 = arith.constant 0 : i32
      %dma_start3A_421 = tpu.memref_slice %arg4[%mul3A_410, %dma_start3A_419, %dma_start3A_420] : memref<4096x50x64xf32, #tpu.memory_space<hbm>> -> memref<8x50x64xf32, #tpu.memory_space<hbm>>
      %dma_start3A_422 = arith.constant 0 : i32
      %dma_start3A_423 = arith.constant 0 : i32
      %dma_start3A_424 = arith.constant 0 : i32
      %dma_start3A_425 = tpu.memref_slice %arg6[%select_n3A_60, %dma_start3A_422, %dma_start3A_423, %dma_start3A_424] : memref<2x8x50x64xf32, #tpu.memory_space<vmem>> -> memref<1x8x50x64xf32, #tpu.memory_space<vmem>>
      %dma_start3A_426 = tpu.memref_squeeze %dma_start3A_425 : memref<1x8x50x64xf32, #tpu.memory_space<vmem>> -> memref<8x50x64xf32, #tpu.memory_space<vmem>>
      tpu.enqueue_dma source(%dma_start3A_426 : memref<8x50x64xf32, #tpu.memory_space<vmem>>) target(%dma_start3A_421 : memref<8x50x64xf32, #tpu.memory_space<hbm>>) target_semaphore(%arg9 : memref<!tpu.dma_semaphore, #tpu.memory_space<semaphore_mem>>)
    }
    %scan3A_5 = arith.constant 16 : i32
    %mul3A_6 = arith.constant 16 : i32
    %mul3A_7 = arith.muli %add3A, %mul3A_6 : i32
    %add3A_8 = arith.constant 14 : i32
    %add3A_9 = arith.addi %mul3A_7, %add3A_8 : i32
    %mul3A_10 = arith.constant 8 : i32
    %mul3A_11 = arith.muli %add3A_9, %mul3A_10 : i32
    %dma_wait3A = arith.constant 0 : i32
    %dma_wait3A_12 = arith.constant 0 : i32
    %dma_wait3A_13 = arith.constant 0 : i32
    %dma_wait3A_14 = arith.constant 0 : i32
    %dma_wait3A_15 = tpu.memref_slice %arg6[%dma_wait3A, %dma_wait3A_12, %dma_wait3A_13, %dma_wait3A_14] : memref<2x8x50x64xf32, #tpu.memory_space<vmem>> -> memref<1x8x50x64xf32, #tpu.memory_space<vmem>>
    %dma_wait3A_16 = tpu.memref_squeeze %dma_wait3A_15 : memref<1x8x50x64xf32, #tpu.memory_space<vmem>> -> memref<8x50x64xf32, #tpu.memory_space<vmem>>
    %dma_wait3A_17 = arith.constant 0 : i32
    %dma_wait3A_18 = arith.constant 0 : i32
    %dma_wait3A_19 = tpu.memref_slice %arg4[%mul3A_11, %dma_wait3A_17, %dma_wait3A_18] : memref<4096x50x64xf32, #tpu.memory_space<hbm>> -> memref<8x50x64xf32, #tpu.memory_space<hbm>>
    %dma_wait3A_20 = arith.constant 0 : i32
    %dma_wait3A_21 = arith.constant 0 : i32
    %dma_wait3A_22 = tpu.memref_slice %arg4[%mul3A_11, %dma_wait3A_20, %dma_wait3A_21] : memref<4096x50x64xf32, #tpu.memory_space<hbm>> -> memref<8x50x64xf32, #tpu.memory_space<hbm>>
    %dma_wait3A_23 = arith.constant 0 : i32
    %dma_wait3A_24 = arith.constant 0 : i32
    %dma_wait3A_25 = arith.constant 0 : i32
    %dma_wait3A_26 = tpu.memref_slice %arg6[%dma_wait3A, %dma_wait3A_23, %dma_wait3A_24, %dma_wait3A_25] : memref<2x8x50x64xf32, #tpu.memory_space<vmem>> -> memref<1x8x50x64xf32, #tpu.memory_space<vmem>>
    %dma_wait3A_27 = tpu.memref_squeeze %dma_wait3A_26 : memref<1x8x50x64xf32, #tpu.memory_space<vmem>> -> memref<8x50x64xf32, #tpu.memory_space<vmem>>
    tpu.wait_dma2 semaphore(%arg9 : memref<!tpu.dma_semaphore, #tpu.memory_space<semaphore_mem>>) src(%dma_wait3A_27 : memref<8x50x64xf32, #tpu.memory_space<vmem>>) dst(%dma_wait3A_22 : memref<8x50x64xf32, #tpu.memory_space<hbm>>)
    %mul3A_28 = arith.constant 16 : i32
    %mul3A_29 = arith.muli %add3A, %mul3A_28 : i32
    %add3A_30 = arith.constant 15 : i32
    %add3A_31 = arith.addi %mul3A_29, %add3A_30 : i32
    %mul3A_32 = arith.constant 8 : i32
    %mul3A_33 = arith.muli %add3A_31, %mul3A_32 : i32
    %dma_wait3A_34 = arith.constant 1 : i32
    %dma_wait3A_35 = arith.constant 0 : i32
    %dma_wait3A_36 = arith.constant 0 : i32
    %dma_wait3A_37 = arith.constant 0 : i32
    %dma_wait3A_38 = tpu.memref_slice %arg6[%dma_wait3A_34, %dma_wait3A_35, %dma_wait3A_36, %dma_wait3A_37] : memref<2x8x50x64xf32, #tpu.memory_space<vmem>> -> memref<1x8x50x64xf32, #tpu.memory_space<vmem>>
    %dma_wait3A_39 = tpu.memref_squeeze %dma_wait3A_38 : memref<1x8x50x64xf32, #tpu.memory_space<vmem>> -> memref<8x50x64xf32, #tpu.memory_space<vmem>>
    %dma_wait3A_40 = arith.constant 0 : i32
    %dma_wait3A_41 = arith.constant 0 : i32
    %dma_wait3A_42 = tpu.memref_slice %arg4[%mul3A_33, %dma_wait3A_40, %dma_wait3A_41] : memref<4096x50x64xf32, #tpu.memory_space<hbm>> -> memref<8x50x64xf32, #tpu.memory_space<hbm>>
    %dma_wait3A_43 = arith.constant 0 : i32
    %dma_wait3A_44 = arith.constant 0 : i32
    %dma_wait3A_45 = tpu.memref_slice %arg4[%mul3A_33, %dma_wait3A_43, %dma_wait3A_44] : memref<4096x50x64xf32, #tpu.memory_space<hbm>> -> memref<8x50x64xf32, #tpu.memory_space<hbm>>
    %dma_wait3A_46 = arith.constant 0 : i32
    %dma_wait3A_47 = arith.constant 0 : i32
    %dma_wait3A_48 = arith.constant 0 : i32
    %dma_wait3A_49 = tpu.memref_slice %arg6[%dma_wait3A_34, %dma_wait3A_46, %dma_wait3A_47, %dma_wait3A_48] : memref<2x8x50x64xf32, #tpu.memory_space<vmem>> -> memref<1x8x50x64xf32, #tpu.memory_space<vmem>>
    %dma_wait3A_50 = tpu.memref_squeeze %dma_wait3A_49 : memref<1x8x50x64xf32, #tpu.memory_space<vmem>> -> memref<8x50x64xf32, #tpu.memory_space<vmem>>
    tpu.wait_dma2 semaphore(%arg9 : memref<!tpu.dma_semaphore, #tpu.memory_space<semaphore_mem>>) src(%dma_wait3A_50 : memref<8x50x64xf32, #tpu.memory_space<vmem>>) dst(%dma_wait3A_45 : memref<8x50x64xf32, #tpu.memory_space<hbm>>)
    return
  }
}

</mosaic_0001>

<sc_bundles>
// kernel: kernel.3.cloned.1.call-start
scs
__scs_entry_jumppad:
0x0: {  	(pc) =	sbr.rel $0x88, $3  }
0x1: {  	(tag) =	ssettag $0x0;
	lr =	simm.s32 $0x1  }
0x2: {  	[smem:$0x3F9F] =	sst lr;
	_ =	strace $0xD0000000  }
0x3: {  	_ = 	snop  }
0x4: {  	_ = 	snop  }
0x5: {  	_ = 	snop  }
0x6: {  	_ = 	snop  }
0x7: {  	_ = 	snop  }
__scs_overlays_trampoline_lowered:
0x8: {  	[smem:$0x3FAE] =	sst s0  }
0x9: {  	[smem:$0x3FAF] =	sst s1  }
0xa: {  	[smem:$0x3FB0] =	sst s2  }
0xb: {  	[smem:$0x3FB1] =	sst s3  }
0xc: {  	[smem:$0x3FB2] =	sst s4  }
0xd: {  	[smem:$0x3FB3] =	sst s5  }
0xe: {  	[smem:$0x3FB4] =	sst s6  }
0xf: {  	[smem:$0x3FB5] =	sst s7  }
0x10: {  	[smem:$0x3FB6] =	sst s8  }
0x11: {  	[smem:$0x3FB7] =	sst s9;
	s0 =	simm.s32 @!p0 $0x0  }
0x12: {  	s1 =	sld [smem:$0x3F9D];
	s0 =	simm.s32 @p0 $0x1  }
0x13: {  	[smem:$0x3FB8] =	sst s0;
	s0 =	simm.s32 @!p1 $0x0  }
0x14: {  	s2 =	sld [smem:$0x3F9C];
	s0 =	simm.s32 @p1 $0x1  }
0x15: {  	[smem:$0x3FB9] =	sst s0;
	s0 =	simm.s32 @!p2 $0x0  }
0x16: {  	s3 =	sld [smem:$0x3FDB];
	s0 =	simm.s32 @p2 $0x1  }
0x17: {  	s4 =	simm.s32 $0x1BF5;
	[smem:$0x3FBB] =	sst s0  }
0x18: {  	s0 =	sld [smem:$0x3F9E];
	_ =	swait.ge [sflag:s4], $0x0  }
0x19: {  	s7 =	sld [smem:$0x3F9F]  }
0x1a: {  	s8 =	sadd.s32 $0xFFFFE003, lr  }
0x1b: {  	s9 =	sadd.s32 $0xFFFFFEF7, lr;
	s5 =	simm.s32 $0xFFFFFFFF;
	p2 =	slt.u32 s8, $0xFFFFF086  }
0x1c: {  	p1 =	slt.u32 s9, $0xF7A;
	s5 =	simm.s32 @!p2 $0x0  }
0x1d: {  	s5 =	simm.s32 @p1 $0x1;
	p0 =	seq.s32 s7, s2  }
0x1e: {  	s7 =	smul.u32 @!p0 $0xF7A, s2;
	p2 =	seq.s32 @!p0 s5, $0x0  }
0x1f: {  	s9 =	smul.u32 $0xF7A, s1;
	s8 =	simm.s32 @!p0 $0x1BF5;
	p2 =	por !p2, p0  }
0x20: {  	[sflag:s8] =	ssyncset.s32 @!p0 $0xFFFFF086;
	s6 =	sadd.s32 @!p0 s3, s7;
	s7 =	simm.s32 @!p0 $0x108  }
0x21: {  	s3 =	sadd.s32 s3, s9;
	s6 =	sadd.s32 @!p0 $0x88, s6;
	s7 =	simm.s32 @p2 $0x1082  }
0x22: {  	[simem:s7], [sflag:s8] =	dma.local @!p0 [hbm:s6], $0xF7A  }
0x23: {  	s9 =	sor.u32 $0xD0000000, s2;
	s6 =	simm.s32 $0x108;
	_ =	swait.ge @!p0 [sflag:s8], $0x0  }
0x24: {  	s3 =	sadd.s32 $0x88, s3;
	s6 =	simm.s32 @!p1 $0x1082;
	[sflag:s4] =	ssyncset.s32 $0xFFFFF086  }
0x25: {  	[simem:s6], [sflag:s4] =	dma.local [hbm:s3], $0xF7A  }
0x26: {  	[smem:$0x3F9F] =	sst s1;
	(tag) =	ssettag s2;
	_ =	strace s9  }
0x27: {  	s1 =	sld [smem:$0x3FAF]  }
0x28: {  	s2 =	sld [smem:$0x3FB0]  }
0x29: {  	s4 =	sld [smem:$0x3FB2]  }
0x2a: {  	p0 =	seq.s32 s5, $0x0;
	s5 =	sld [smem:$0x3FB3]  }
0x2b: {  	s6 =	sld [smem:$0x3FB4]  }
0x2c: {  	s7 =	sld [smem:$0x3FB5]  }
0x2d: {  	s3 =	simm.s32 $0x108;
	s8 =	sld [smem:$0x3FB6]  }
0x2e: {  	s3 =	simm.s32 @!p0 $0x1082;
	s9 =	sld [smem:$0x3FB7]  }
0x2f: {  	lr =	sadd.s32 s0, s3;
	s0 =	sld [smem:$0x3FAE]  }
0x30: {  	s3 =	sld [smem:$0x3FB1]  }
0x31: {  	[smem:$0x3FBA] =	sst s10  }
0x32: {  	s10 =	sld [smem:$0x3FB8];
	_ =	sdelay $0x3  }
0x33: {  	p0 =	seq.s32 s10, $0x1;
	s10 =	sld [smem:$0x3FBA];
	_ =	sdelay $0x3  }
0x34: {  	[smem:$0x3FBA] =	sst s10  }
0x35: {  	s10 =	sld [smem:$0x3FB9];
	_ =	sdelay $0x3  }
0x36: {  	p1 =	seq.s32 s10, $0x1;
	s10 =	sld [smem:$0x3FBA];
	_ =	sdelay $0x3  }
0x37: {  	[smem:$0x3FBA] =	sst s10  }
0x38: {  	s10 =	sld [smem:$0x3FBB]  }
0x39: {  	_ = 	snop;
	(pc) =	sbr.ind lr, $3  }
0x3a: {  	_ = 	snop  }
0x3b: {  	_ = 	snop  }
0x3c: {  	p2 =	seq.s32 s10, $0x1;
	s10 =	sld [smem:$0x3FBA]  }
0x3d: {  	_ =	shalt  }
0x3e: {  	_ =	shalt  }
0x3f: {  	_ =	shalt  }
0x40: {  	_ =	shalt  }
0x41: {  	_ =	shalt  }
0x42: {  	_ =	shalt  }
0x43: {  	_ =	shalt  }
0x44: {  	_ =	shalt  }
0x45: {  	_ =	shalt  }
0x46: {  	_ =	shalt  }
0x47: {  	_ =	shalt  }
0x48: {  	_ =	shalt  }
0x49: {  	_ =	shalt  }
0x4a: {  	_ =	shalt  }
0x4b: {  	_ =	shalt  }
0x4c: {  	_ =	shalt  }
0x4d: {  	_ =	shalt  }
0x4e: {  	_ =	shalt  }
0x4f: {  	_ =	shalt  }
0x50: {  	_ =	shalt  }
0x51: {  	_ =	shalt  }
0x52: {  	_ =	shalt  }
0x53: {  	_ =	shalt  }
0x54: {  	_ =	shalt  }
0x55: {  	_ =	shalt  }
0x56: {  	_ =	shalt  }
0x57: {  	_ =	shalt  }
0x58: {  	_ =	shalt  }
0x59: {  	_ =	shalt  }
0x5a: {  	_ =	shalt  }
0x5b: {  	_ =	shalt  }
0x5c: {  	_ =	shalt  }
0x5d: {  	_ =	shalt  }
0x5e: {  	_ =	shalt  }
0x5f: {  	_ =	shalt  }
0x60: {  	_ =	shalt  }
0x61: {  	_ =	shalt  }
0x62: {  	_ =	shalt  }
0x63: {  	_ =	shalt  }
0x64: {  	_ =	shalt  }
0x65: {  	_ =	shalt  }
0x66: {  	_ =	shalt  }
0x67: {  	_ =	shalt  }
0x68: {  	_ =	shalt  }
0x69: {  	_ =	shalt  }
0x6a: {  	_ =	shalt  }
0x6b: {  	_ =	shalt  }
0x6c: {  	_ =	shalt  }
0x6d: {  	_ =	shalt  }
0x6e: {  	_ =	shalt  }
0x6f: {  	_ =	shalt  }
0x70: {  	_ =	shalt  }
0x71: {  	_ =	shalt  }
0x72: {  	_ =	shalt  }
0x73: {  	_ =	shalt  }
0x74: {  	_ =	shalt  }
0x75: {  	_ =	shalt  }
0x76: {  	_ =	shalt  }
0x77: {  	_ =	shalt  }
0x78: {  	_ =	shalt  }
0x79: {  	_ =	shalt  }
0x7a: {  	_ =	shalt  }
0x7b: {  	_ =	shalt  }
0x7c: {  	_ =	shalt  }
0x7d: {  	_ =	shalt  }
0x7e: {  	_ =	shalt  }
0x7f: {  	_ =	shalt  }
0x80: {  	_ =	shalt  }
0x81: {  	_ =	shalt  }
0x82: {  	_ =	shalt  }
0x83: {  	_ =	shalt  }
0x84: {  	_ =	shalt  }
0x85: {  	_ =	shalt  }
0x86: {  	_ =	shalt  }
0x87: {  	_ =	shalt  }
.Lfunc_end0:
.L_simem_size_0:
called_computation_lowered:
.L_overlay_start_0:
0x88: {  	s2 =	sld [smem:$0x3FD9]  }
0x89: {  	s3 =	sld [smem:$0x3FFE];
	_ =	sdelay $0x1  }
0x8a: {  	s1 =	srdreg.scid  }
0x8b: {  	s0 =	sand.u32 $0x1, s1  }
0x8c: {  	s17 =	sshll.u32 s0, $0xA;
	s2 =	sadd.s32 s3, s2  }
0x8d: {  	s2 =	sadd.s32 s2, s17  }
0x8e: {  	[smem:$0x3FC6] =	sst s2  }
0x8f: {  	_ = 	snop  }
0x90: {  	s2 =	sld [smem:$0x3FD0];
	(tm) =	ssettm $0x1  }
0x91: {  	s18 =	sld [smem:$0x3FFB];
	_ =	sdelay $0x3  }
0x92: {  	_ =	strace s18  }
0x93: {  	s3 =	sld [smem:$0x3FFC];
	_ =	sdelay $0x3  }
0x94: {  	_ =	strace s3  }
0x95: {  	s3 =	sld [smem:$0x3FFD];
	_ =	sdelay $0x3  }
0x96: {  	_ =	strace s3  }
0x97: {  	_ =	strace $0x8FFFFFFF  }
0x98: {  	s19 =	sld [smem:$0x3FDB];
	_ =	sdelay $0x1  }
0x99: {  	s4 =	simm.s32 $_scs_section_size  }
0x9a: {  	s5 =	simm.s32 $_size__tile_overlayer_lowered;
	s6 =	simm.s32 $_tile_overlayer_lowered  }
0x9b: {  	s22 =	simm.s32 $0x1BFF;
	s21 =	sshll.u32 s6, $0x1;
	s3 =	sadd.s32 s4, s19  }
0x9c: {  	s7 =	simm.s32 $0x0;
	s20 =	sshll.u32 s5, $0x1;
	s5 =	sadd.s32 s21, s3  }
0x9d: {  	[timem:s7], [sflag:s22] =	dma.local [hbm:s5], s20  }
0x9e: {  	_ =	swait.ge [sflag:s22], s20  }
0x9f: {  	s4 =	ssub.s32 $0x0, s20;
	[sflag:s22] =	ssyncset.done $0x0  }
0xa0: {  	[sflag:s22] =	ssyncadd.s32 s4;
	_ =	sdelay $0x1  }
0xa1: {  	s23 =	simm.s32 $0x1B8B  }
0xa2: {  	_ =	swait.ge [sflag:s23], $0x1  }
0xa3: {  	[sflag:s23] =	ssyncset.done $0x0  }
0xa4: {  	s25 =	simm.s32 $0x1B8E;
	s24 =	sld [smem:$0x3FFE];
	[sflag:s23] =	ssyncadd.s32 $0xFFFFFFFF  }
0xa5: {  	s26 =	simm.s32 $execute0_lowered;
	[smem:$0x3FD2] =	sst s25  }
0xa6: {  	s5 =	sshll.u32 s26, $0x1;
	_ =	strace $0x80000046;
	[dreg:$0x1] =	wrdreg $0xFFFFFFFF  }
0xa7: {  	s28 =	simm.s32 $_size_execute0_lowered;
	s3 =	sadd.s32 s3, s5;
	[dreg:$0x0] =	wrdreg $0x0  }
0xa8: {  	s5 =	sshll.u32 s28, $0x1;
	[dreg:$0x2] =	wrdreg s3  }
0xa9: {  	[dreg:$0x3] =	wrdreg s5  }
0xaa: {  	[dreg:$0x4] =	wrdreg $0xC0  }
0xab: {  	_ =	task [dreg:s7], $0x5FFFF  }
0xac: {  	[dreg:$0x1] =	wrdreg $0xFFFFFFFF  }
0xad: {  	[dreg:$0x0] =	wrdreg $0x60  }
0xae: {  	[dreg:$0x2] =	wrdreg s2  }
0xaf: {  	[dreg:$0x3] =	wrdreg s24  }
0xb0: {  	[dreg:$0x4] =	wrdreg $0x9  }
0xb1: {  	_ =	task.clear_ibuf [dreg:s7], $0x5FFFF;
	_ =	strace $0x90000046  }
0xb2: {  	s29 =	simm.s32 $0x9;
	_ =	strace $0x80000048  }
0xb3: {  	_ =	swait.ge [sflag:s29], $0x1  }
0xb4: {  	[sflag:s29] =	ssyncadd.s32 $0xFFFFFFFF  }
0xb5: {  	_ =	strace $0x90000048  }
0xb6: {  	_ =	sfence  }
0xb7: {  	s30 =	sld [smem:$0x0];
	_ =	sdelay $0x2  }
0xb8: {  	s31 =	sshll.u32 s1, $0xD;
	s1 =	sshrl.u32 s1, $0x2  }
0xb9: {  	s3 =	sand.u32 $0x4000, s31;
	s1 =	sadd.s32 s1, s30  }
0xba: {  	s0 =	sor.u32 s3, s0;
	s1 =	sshll.u32 s1, $0x11  }
0xbb: {  	s0 =	sor.u32 s1, s0  }
0xbc: {  	s0 =	sadd.s32 $0x8F2B, s0  }
0xbd: {  	[sflag:s0] =	ssyncadd.remote.s32 $0x1  }
0xbe: {  	_ =	sfence.sel $0xFFFF  }
0xbf: {  	[dreg:$0x0] =	wrdreg $0xFFFFFFFF;
	(pc) =	sbr.abs _section_cstart, $3  }
0xc0: {  	[dreg:$0x1] =	wrdreg $0xFFFFFFFF  }
0xc1: {  	_ =	task.clear_ibuf [dreg:s7], $0x2FFFF;
	_ =	strace $0x9FFFFFFF  }
0xc2: {  	(tm) =	ssettm $0x7FFFFFFF  }
0xc3: {  	_ =	shalt  }
tec
execute0_lowered:
.L_overlay_start_1:
0x0: {  	(tag) =	ssettag $0x1  }
0x1: {  	s0 =	rddreg [dreg:$0x0]  }
0x2: {  	s1 =	rddreg [dreg:$0x1]  }
0x3: {  	s2 =	simm.s32 $0x0;
	s3 =	srdreg.scid;
	s5 =	stileid.u32  }
0x4: {  	[smem:$0x7FF] =	sst s2;
	s4 =	sand.u32 $0x1, s3;
	s3 =	sadd.s32 $0x400, s1  }
0x5: {  	s5 =	sshll.u32 s5, $0x1;
	s1 =	sadd.s32 $0xF42800, s1;
	_ =	strace $0x80000047  }
0x6: {  	s6 =	ssub.s32 $0x2, s4;
	s4 =	sor.u32 s4, s5;
	[dreg:$0x3] =	wrdreg s1  }
0x7: {  	s29 =	sshrl.u32 s6, $0x1;
	s5 =	sshll.u32 s4, $0xA;
	s30 =	sshll.u32 s4, $0x7  }
0x8: {  	s1 =	ssub.s32 s6, s29;
	s0 =	sadd.s32 s0, s5;
	[dreg:$0x5] =	wrdreg s30  }
0x9: {  	[dreg:$0x4] =	wrdreg s0;
	s31 =	smax.u32 s1, $0x1  }
0xa: {  	s4 =	simm.s32 $0x0;
	[dreg:$0x6] =	wrdreg s31  }
.LBB2_1:
0xb: {  	[dreg:$0x7] =	wrdreg s4  }
0xc: {  	s0 =	rddreg [dreg:$0x4];
	s31 =	simm.s32 $0x4  }
0xd: {  	[tilespmem:s2], [sflag:$0x4] =	stream.linear.gather [hbm4b:s0+s2], $0x2000, $0x38;
	[tilespmem:$0x1E000] =	vst v63  }
0xe: {  	_ =	swait.ge [sflag:s31], $0x2000  }
0xf: {  	[sflag:s31] =	ssyncset.done $0x0  }
0x10: {  	s5 =	simm.s32 $0x0;
	[sflag:s31] =	ssyncadd.s32 $0xFFFFE000  }
.LBB2_2:
0x11: {  	p0 =	slt.u32 s5, $0x2  }
0x12: {  	s0 =	simm.s32 @!p0 $0x3  }
0x13: {  	s1 =	sshll.u32 s5, $0x9;
	s4 =	sshll.u32 s5, $0x7;
	_ =	swait.ge @!p0 [sflag:s0], $0xC800  }
0x14: {  	s1 =	sand.u32 $0x1000, s1;
	s8 =	sand.u32 $0x380, s4;
	[sflag:s0] =	ssyncset.done @!p0 $0x0  }
0x15: {  	s19 =	sor.u32 s8, s1;
	[sflag:s0] =	ssyncadd.s32 @!p0 $0xFFFF3800  }
0x16: {  	v0 =	vld [tilespmem:s19+$0x0];
	_ =	sdelay $0x4  }
0x17: {  	v0 =	vshll.u32 v0, $0x4  }
0x18: {  	(v2sf) =	vpush v0, $0x0  }
0x19: {  	(v2sf) =	vpush v0, $0x1;
	_ =	sdelay $0x3  }
0x1a: {  	(v2sf) =	vpush v0, $0x2  }
0x1b: {  	(v2sf) =	vpush v0, $0x3;
	_ =	sdelay $0x8  }
0x1c: {  	s21 =	spop (v2sf);
	(v2sf) =	vpush v0, $0x4  }
0x1d: {  	s22 =	spop (v2sf);
	(v2sf) =	vpush v0, $0x5;
	_ =	sdelay $0x1  }
0x1e: {  	[dreg:$0xa] =	wrdreg s1  }
0x1f: {  	s20 =	sand.u32 $0x1, s5;
	[dreg:$0x8] =	wrdreg s5;
	(v2sf) =	vpush v0, $0x6  }
0x20: {  	s5 =	simm.s32 $0xE000;
	p0 =	seq.s32 s20, $0x1;
	s25 =	spop (v2sf)  }
0x21: {  	s5 =	simm.s32 @!p0 $0x0;
	s0 =	sand.u32 $0x1FFFFFF0, s21;
	s1 =	spop (v2sf);
	(v2sf) =	vpush v0, $0x7  }
0x22: {  	s6 =	simm.s32 $0x0;
	s23 =	sadd.s32 $0x2000, s5;
	s0 =	sadd.s32 s3, s0  }
0x23: {  	[tilespmem:s23], [sflag:$0x1] =	stream.linear.gather [hbm4b:s0+s6], $0x80, $0x38;
	[tilespmem:$0x1E000] =	vst v63  }
0x24: {  	s0 =	sand.u32 $0x1FFFFFF0, s22  }
0x25: {  	s24 =	sadd.s32 $0x2080, s5;
	s0 =	sadd.s32 s3, s0  }
0x26: {  	[tilespmem:s24], [sflag:$0x1] =	stream.linear.gather [hbm4b:s0+s6], $0x80, $0x38;
	[tilespmem:$0x1E000] =	vst v63  }
0x27: {  	s0 =	sand.u32 $0x1FFFFFF0, s25  }
0x28: {  	s26 =	sadd.s32 $0x2100, s5;
	s0 =	sadd.s32 s3, s0  }
0x29: {  	[tilespmem:s26], [sflag:$0x1] =	stream.linear.gather [hbm4b:s0+s6], $0x80, $0x38;
	[tilespmem:$0x1E000] =	vst v63  }
0x2a: {  	s29 =	simm.s32 $0x2666A;
	s0 =	sand.u32 $0x1FFFFFF0, s1;
	s7 =	spop (v2sf);
	(v2sf) =	vpush v0, $0x8  }
0x2b: {  	s4 =	sadd.s32 $0x2180, s5;
	s0 =	sadd.s32 s3, s0;
	s10 =	spop (v2sf);
	(v2sf) =	vpush v0, $0x9  }
0x2c: {  	[tilespmem:s4], [sflag:$0x1] =	stream.linear.gather [hbm4b:s0+s6], $0x80, $0x38;
	(v2sf) =	vpush v0, $0xA;
	[tilespmem:$0x1E000] =	vst v63  }
0x2d: {  	s28 =	simm.s32 $0x3AE1A;
	s30 =	simm.s32 $0x2B856;
	s0 =	sand.u32 $0x1FFFFFF0, s7  }
0x2e: {  	s9 =	sadd.s32 $0x2200, s5;
	s0 =	sadd.s32 s3, s0;
	s12 =	spop (v2sf);
	(v2sf) =	vpush v0, $0xB  }
0x2f: {  	[tilespmem:s9], [sflag:$0x1] =	stream.linear.gather [hbm4b:s0+s6], $0x80, $0x38;
	[tilespmem:$0x1E000] =	vst v63  }
0x30: {  	s31 =	simm.s32 $0x2A3DB;
	s0 =	sand.u32 $0x1FFFFFF0, s10;
	s14 =	spop (v2sf);
	(v2sf) =	vpush v0, $0xC  }
0x31: {  	s11 =	sadd.s32 $0x2280, s5;
	s13 =	sadd.s32 $0x2300, s5;
	s0 =	sadd.s32 s3, s0  }
0x32: {  	[tilespmem:s11], [sflag:$0x1] =	stream.linear.gather [hbm4b:s0+s6], $0x80, $0x38;
	[tilespmem:$0x1E000] =	vst v63  }
0x33: {  	s15 =	sadd.s32 $0x2380, s5;
	s17 =	sadd.s32 $0x2400, s5;
	s0 =	sand.u32 $0x1FFFFFF0, s12  }
0x34: {  	s19 =	sadd.s32 $0x2480, s5;
	[dreg:$0x9] =	wrdreg s5;
	s0 =	sadd.s32 s3, s0  }
0x35: {  	[tilespmem:s13], [sflag:$0x1] =	stream.linear.gather [hbm4b:s0+s6], $0x80, $0x38;
	[tilespmem:$0x1E000] =	vst v63  }
0x36: {  	[dreg:$0xb] =	wrdreg s23;
	s22 =	sadd.s32 $0x2500, s5;
	s0 =	sand.u32 $0x1FFFFFF0, s14  }
0x37: {  	s26 =	sadd.s32 $0x2580, s5;
	s1 =	simm.s32 $0x28F60;
	s0 =	sadd.s32 s3, s0  }
0x38: {  	[tilespmem:s15], [sflag:$0x1] =	stream.linear.gather [hbm4b:s0+s6], $0x80, $0x38;
	[tilespmem:$0x1E000] =	vst v63  }
0x39: {  	s4 =	simm.s32 $0x1AE17;
	s10 =	sadd.s32 $0x2600, s5;
	s16 =	spop (v2sf)  }
0x3a: {  	s13 =	sadd.s32 $0x2680, s5;
	s0 =	sand.u32 $0x1FFFFFF0, s16;
	s18 =	spop (v2sf)  }
0x3b: {  	s15 =	sadd.s32 $0x2700, s5;
	s0 =	sadd.s32 s3, s0;
	s20 =	spop (v2sf)  }
0x3c: {  	[tilespmem:s17], [sflag:$0x1] =	stream.linear.gather [hbm4b:s0+s6], $0x80, $0x38;
	[tilespmem:$0x1E000] =	vst v63  }
0x3d: {  	(v2sf) =	vpush v0, $0xD;
	s0 =	sand.u32 $0x1FFFFFF0, s18;
	s21 =	spop (v2sf);
	s17 =	sadd.s32 $0x2780, s5  }
0x3e: {  	(v2sf) =	vpush v0, $0xE;
	s18 =	simm.s32 $0x0;
	s0 =	sadd.s32 s3, s0;
	s24 =	sand.u32 $0x1FFFFFF0, s21  }
0x3f: {  	s25 =	spop (v2sf);
	[dreg:$0xc] =	wrdreg s18;
	s21 =	simm.s32 $0x251EF  }
0x40: {  	(v2sf) =	vpush v0, $0xF;
	[tilespmem:s19], [sflag:$0x1] =	stream.linear.gather [hbm4b:s0+s6], $0x80, $0x38;
	[tilespmem:$0x1E000] =	vst v63  }
0x41: {  	s18 =	simm.s32 $0x2E14C;
	s19 =	simm.s32 $0x3C295;
	[dreg:$0x14] =	wrdreg s21  }
0x42: {  	s0 =	sand.u32 $0x1FFFFFF0, s20;
	s20 =	simm.s32 $0x27AE5;
	[dreg:$0x12] =	wrdreg s19  }
0x43: {  	s7 =	sand.u32 $0x1FFFFFF0, s25;
	s25 =	simm.s32 $0x2147E;
	[dreg:$0xd] =	wrdreg s20  }
0x44: {  	s21 =	simm.s32 $0x31EBD;
	s0 =	sadd.s32 s3, s0;
	[dreg:$0x17] =	wrdreg s25  }
0x45: {  	[tilespmem:s22], [sflag:$0x1] =	stream.linear.gather [hbm4b:s0+s6], $0x80, $0x38;
	[tilespmem:$0x1E000] =	vst v63  }
0x46: {  	s19 =	simm.s32 $0x347B3;
	s20 =	simm.s32 $0x33338;
	s22 =	simm.s32 $0x23D74  }
0x47: {  	s0 =	sadd.s32 s3, s24;
	s24 =	simm.s32 $0x228F9;
	[dreg:$0x15] =	wrdreg s22  }
0x48: {  	[dreg:$0x16] =	wrdreg s24;
	s24 =	simm.s32 $0x20;
	s22 =	simm.s32 $0x30A42  }
0x49: {  	[tilespmem:s26], [sflag:$0x1] =	stream.linear.gather [hbm4b:s0+s6], $0x80, $0x38;
	[tilespmem:$0x1E000] =	vst v63  }
0x4a: {  	s0 =	sadd.s32 s3, s7;
	s26 =	simm.s32 $0x20003;
	s7 =	simm.s32 $0x1EB88  }
0x4b: {  	[tilespmem:s10], [sflag:$0x1] =	stream.linear.gather [hbm4b:s0+s6], $0x80, $0x38;
	[tilespmem:$0x1E000] =	vst v63  }
0x4c: {  	[dreg:$0x18] =	wrdreg s26;
	s26 =	simm.s32 $0x15C2B;
	s9 =	spop (v2sf)  }
0x4d: {  	s10 =	simm.s32 $0x38524;
	s11 =	sand.u32 $0x1FFFFFF0, s9;
	s12 =	spop (v2sf)  }
0x4e: {  	s9 =	simm.s32 $0x3999F;
	s0 =	sadd.s32 s3, s11;
	s14 =	sand.u32 $0x1FFFFFF0, s12  }
0x4f: {  	s16 =	spop (v2sf);
	s11 =	simm.s32 $0x1D70D;
	s12 =	simm.s32 $0x1C292  }
0x50: {  	[tilespmem:s13], [sflag:$0x1] =	stream.linear.gather [hbm4b:s0+s6], $0x80, $0x38;
	[tilespmem:$0x1E000] =	vst v63  }
0x51: {  	[dreg:$0x11] =	wrdreg s9;
	s9 =	simm.s32 $0x370A9;
	s0 =	sadd.s32 s3, s14  }
0x52: {  	[tilespmem:s15], [sflag:$0x1] =	stream.linear.gather [hbm4b:s0+s6], $0x80, $0x38;
	[tilespmem:$0x1E000] =	vst v63  }
0x53: {  	s13 =	simm.s32 $0x170A6;
	s14 =	simm.s32 $0x147B0;
	s0 =	sand.u32 $0x1FFFFFF0, s16  }
0x54: {  	s16 =	simm.s32 $0x18521;
	s15 =	simm.s32 $0x35C2E;
	s0 =	sadd.s32 s3, s0  }
0x55: {  	[tilespmem:s17], [sflag:$0x1] =	stream.linear.gather [hbm4b:s0+s6], $0x80, $0x38;
	[tilespmem:$0x1E000] =	vst v63  }
0x56: {  	v0 =	vmov s8;
	s6 =	simm.s32 $0x1999C;
	s17 =	simm.s32 $0x2F5C7;
	s0 =	simm.s32 $0x2CCD1  }
.LBB2_3:
0x57: {  	[dreg:$0x13] =	wrdreg s24  }
0x58: {  	[dreg:$0x10] =	wrdreg s28  }
0x59: {  	s8 =	rddreg [dreg:$0x13]  }
0x5a: {  	s28 =	rddreg [dreg:$0xc];
	s5 =	sadd.s32 $0xFFFFFFF0, s8  }
0x5b: {  	s25 =	sand.u32 $0xC00, s28;
	s24 =	sand.u32 $0x70, s5;
	s5 =	rddreg [dreg:$0xa]  }
0x5c: {  	s25 =	sadd.s32 s25, s5  }
0x5d: {  	s24 =	sadd.s32 s24, s25  }
0x5e: {  	v1 =	vld.idx.msk [tilespmem:v0+s24+$0x0 ss:$0x1], $0xffff;
	_ =	sdelay $0x4  }
0x5f: {  	v1 =	vshll.u32 v1, $0x4  }
0x60: {  	(v2sf) =	vpush v1, $0x0;
	_ =	sdelay $0x1  }
0x61: {  	(v2sf) =	vpush v1, $0x1;
	_ =	sdelay $0x4  }
0x62: {  	(v2sf) =	vpush v1, $0x2;
	_ =	sdelay $0x1  }
0x63: {  	(v2sf) =	vpush v1, $0x3;
	_ =	sdelay $0x1  }
0x64: {  	[dreg:$0xf] =	wrdreg s26  }
0x65: {  	s26 =	rddreg [dreg:$0xf];
	s8 =	sshrl.u32 s14, $0x12  }
0x66: {  	[dreg:$0x19] =	wrdreg s14;
	s26 =	sshrl.u32 s26, $0x12;
	s24 =	smul.u32 $0xC00, s8  }
0x67: {  	[dreg:$0x1a] =	wrdreg s13;
	s26 =	smul.u32 $0xC00, s26  }
0x68: {  	[dreg:$0x1b] =	wrdreg s16;
	s24 =	sshrl.u32 s24, $0x2;
	s14 =	spop (v2sf)  }
0x69: {  	s26 =	sshrl.u32 s26, $0x2;
	s24 =	sadd.s32 s24, s23;
	(v2sf) =	vpush v1, $0x4;
	s25 =	sand.u32 $0x1FFFFFF0, s14  }
0x6a: {  	s24 =	sadd.s32 $0x800, s24;
	s8 =	spop (v2sf);
	s25 =	sadd.s32 s3, s25  }
0x6b: {  	(v2sf) =	vpush v1, $0x5;
	[tilespmem:s24], [sflag:$0x2] =	stream.linear.gather [hbm4b:s25+s2], $0x80, $0x38;
	[tilespmem:$0x1E000] =	vst v63  }
0x6c: {  	s14 =	sshrl.u32 s13, $0x12;
	s24 =	sadd.s32 s26, s23;
	s25 =	sand.u32 $0x1FFFFFF0, s8  }
0x6d: {  	s26 =	smul.u32 $0xC00, s14;
	s24 =	sadd.s32 $0x880, s24;
	s25 =	sadd.s32 s3, s25  }
0x6e: {  	[tilespmem:s24], [sflag:$0x2] =	stream.linear.gather [hbm4b:s25+s2], $0x80, $0x38;
	[tilespmem:$0x1E000] =	vst v63  }
0x6f: {  	s8 =	sshrl.u32 s16, $0x12;
	s25 =	sshrl.u32 s26, $0x2;
	s26 =	spop (v2sf)  }
0x70: {  	(v2sf) =	vpush v1, $0x6;
	s24 =	sadd.s32 s25, s23;
	s25 =	sand.u32 $0x1FFFFFF0, s26;
	s26 =	smul.u32 $0xC00, s8  }
0x71: {  	s14 =	spop (v2sf);
	s24 =	sadd.s32 $0x900, s24;
	s25 =	sadd.s32 s3, s25  }
0x72: {  	(v2sf) =	vpush v1, $0x7;
	[tilespmem:s24], [sflag:$0x2] =	stream.linear.gather [hbm4b:s25+s2], $0x80, $0x38;
	[tilespmem:$0x1E000] =	vst v63  }
0x73: {  	[dreg:$0x1c] =	wrdreg s6;
	s13 =	sshrl.u32 s26, $0x2  }
0x74: {  	s16 =	sshrl.u32 s6, $0x12;
	s25 =	sand.u32 $0x1FFFFFF0, s14;
	s24 =	sadd.s32 s13, s23  }
0x75: {  	s26 =	smul.u32 $0xC00, s16;
	s25 =	sadd.s32 s3, s25;
	s24 =	sadd.s32 $0x980, s24  }
0x76: {  	[tilespmem:s24], [sflag:$0x2] =	stream.linear.gather [hbm4b:s25+s2], $0x80, $0x38;
	[tilespmem:$0x1E000] =	vst v63  }
0x77: {  	[dreg:$0x1d] =	wrdreg s4;
	s25 =	sshrl.u32 s26, $0x2  }
0x78: {  	s4 =	sshrl.u32 s4, $0x12;
	s24 =	sadd.s32 s25, s23;
	s26 =	spop (v2sf)  }
0x79: {  	[dreg:$0x1e] =	wrdreg s12;
	s24 =	sadd.s32 $0xA00, s24;
	(v2sf) =	vpush v1, $0x8;
	s25 =	sand.u32 $0x1FFFFFF0, s26  }
0x7a: {  	s26 =	smul.u32 $0xC00, s4;
	s8 =	spop (v2sf);
	s25 =	sadd.s32 s3, s25  }
0x7b: {  	(v2sf) =	vpush v1, $0x9;
	[tilespmem:s24], [sflag:$0x2] =	stream.linear.gather [hbm4b:s25+s2], $0x80, $0x38;
	[tilespmem:$0x1E000] =	vst v63  }
0x7c: {  	s12 =	sshrl.u32 s12, $0x12;
	s16 =	sshrl.u32 s11, $0x12;
	s6 =	sshrl.u32 s26, $0x2  }
0x7d: {  	s25 =	sand.u32 $0x1FFFFFF0, s8;
	s26 =	smul.u32 $0xC00, s12;
	s24 =	sadd.s32 s6, s23  }
0x7e: {  	s8 =	sshrl.u32 s7, $0x12;
	s25 =	sadd.s32 s3, s25;
	s24 =	sadd.s32 $0xA80, s24  }
0x7f: {  	s13 =	sshrl.u32 s26, $0x2;
	s14 =	spop (v2sf);
	s26 =	smul.u32 $0xC00, s16  }
0x80: {  	(v2sf) =	vpush v1, $0xA;
	[tilespmem:s24], [sflag:$0x2] =	stream.linear.gather [hbm4b:s25+s2], $0x80, $0x38;
	[tilespmem:$0x1E000] =	vst v63  }
0x81: {  	s24 =	sadd.s32 s13, s23;
	s25 =	sand.u32 $0x1FFFFFF0, s14;
	s6 =	spop (v2sf)  }
0x82: {  	(v2sf) =	vpush v1, $0xB;
	s24 =	sadd.s32 $0xB00, s24;
	s25 =	sadd.s32 s3, s25;
	s4 =	sshrl.u32 s26, $0x2  }
0x83: {  	[tilespmem:s24], [sflag:$0x2] =	stream.linear.gather [hbm4b:s25+s2], $0x80, $0x38;
	[tilespmem:$0x1E000] =	vst v63  }
0x84: {  	s16 =	rddreg [dreg:$0x18];
	s26 =	smul.u32 $0xC00, s8;
	s24 =	sadd.s32 s4, s23  }
0x85: {  	s14 =	sshrl.u32 s16, $0x12;
	s25 =	sand.u32 $0x1FFFFFF0, s6;
	s24 =	sadd.s32 $0xB80, s24  }
0x86: {  	s25 =	sadd.s32 s3, s25;
	s12 =	sshrl.u32 s26, $0x2;
	s26 =	smul.u32 $0xC00, s14  }
0x87: {  	[tilespmem:s24], [sflag:$0x2] =	stream.linear.gather [hbm4b:s25+s2], $0x80, $0x38;
	[tilespmem:$0x1E000] =	vst v63  }
0x88: {  	s14 =	rddreg [dreg:$0x17];
	s24 =	sadd.s32 s12, s23;
	s13 =	spop (v2sf)  }
0x89: {  	s6 =	sshrl.u32 s14, $0x12;
	s24 =	sadd.s32 $0xC00, s24;
	(v2sf) =	vpush v1, $0xC;
	s25 =	sand.u32 $0x1FFFFFF0, s13  }
0x8a: {  	s26 =	sshrl.u32 s26, $0x2;
	s4 =	spop (v2sf);
	s25 =	sadd.s32 s3, s25  }
0x8b: {  	(v2sf) =	vpush v1, $0xD;
	[tilespmem:s24], [sflag:$0x2] =	stream.linear.gather [hbm4b:s25+s2], $0x80, $0x38;
	[tilespmem:$0x1E000] =	vst v63  }
0x8c: {  	s24 =	sadd.s32 s26, s23;
	s25 =	sand.u32 $0x1FFFFFF0, s4;
	s26 =	smul.u32 $0xC00, s6  }
0x8d: {  	s6 =	rddreg [dreg:$0x16];
	s24 =	sadd.s32 $0xC80, s24;
	s25 =	sadd.s32 s3, s25  }
0x8e: {  	[tilespmem:s24], [sflag:$0x2] =	stream.linear.gather [hbm4b:s25+s2], $0x80, $0x38;
	[tilespmem:$0x1E000] =	vst v63  }
0x8f: {  	s13 =	sshrl.u32 s6, $0x12;
	s12 =	spop (v2sf)  }
0x90: {  	s8 =	sshrl.u32 s26, $0x2;
	(v2sf) =	vpush v1, $0xE;
	s26 =	smul.u32 $0xC00, s13;
	s13 =	rddreg [dreg:$0x15]  }
0x91: {  	s24 =	sadd.s32 s8, s23;
	s25 =	sand.u32 $0x1FFFFFF0, s12;
	s8 =	spop (v2sf)  }
0x92: {  	s12 =	sshrl.u32 s13, $0x12;
	s24 =	sadd.s32 $0xD00, s24;
	s25 =	sadd.s32 s3, s25  }
0x93: {  	s4 =	sshrl.u32 s26, $0x2;
	s26 =	smul.u32 $0xC00, s12;
	s12 =	rddreg [dreg:$0x14]  }
0x94: {  	(v2sf) =	vpush v1, $0xF;
	[tilespmem:s24], [sflag:$0x2] =	stream.linear.gather [hbm4b:s25+s2], $0x80, $0x38;
	[tilespmem:$0x1E000] =	vst v63  }
0x95: {  	s24 =	sadd.s32 s4, s23;
	s25 =	sand.u32 $0x1FFFFFF0, s8;
	s8 =	sshrl.u32 s12, $0x12  }
0x96: {  	s24 =	sadd.s32 $0xD80, s24;
	s25 =	sadd.s32 s3, s25;
	s26 =	sshrl.u32 s26, $0x2  }
0x97: {  	[tilespmem:s24], [sflag:$0x2] =	stream.linear.gather [hbm4b:s25+s2], $0x80, $0x38;
	[tilespmem:$0x1E000] =	vst v63  }
0x98: {  	s24 =	sadd.s32 s26, s23;
	s26 =	smul.u32 $0xC00, s8;
	s4 =	spop (v2sf)  }
0x99: {  	[dreg:$0xe] =	wrdreg s29;
	s24 =	sadd.s32 $0xE00, s24;
	s25 =	sand.u32 $0x1FFFFFF0, s4  }
0x9a: {  	s26 =	sshrl.u32 s26, $0x2;
	s4 =	spop (v2sf);
	s25 =	sadd.s32 s3, s25  }
0x9b: {  	[tilespmem:s24], [sflag:$0x2] =	stream.linear.gather [hbm4b:s25+s2], $0x80, $0x38;
	[tilespmem:$0x1E000] =	vst v63  }
0x9c: {  	s8 =	sshrl.u32 s29, $0x12;
	s24 =	sadd.s32 s26, s23;
	s25 =	sand.u32 $0x1FFFFFF0, s4  }
0x9d: {  	s26 =	smul.u32 $0xC00, s8;
	s24 =	sadd.s32 $0xE80, s24;
	s25 =	sadd.s32 s3, s25  }
0x9e: {  	[tilespmem:s24], [sflag:$0x2] =	stream.linear.gather [hbm4b:s25+s2], $0x80, $0x38;
	[tilespmem:$0x1E000] =	vst v63  }
0x9f: {  	s29 =	rddreg [dreg:$0xd];
	s26 =	sshrl.u32 s26, $0x2;
	s4 =	spop (v2sf)  }
0xa0: {  	s8 =	sshrl.u32 s29, $0x12;
	s24 =	sadd.s32 s26, s23;
	s25 =	sand.u32 $0x1FFFFFF0, s4  }
0xa1: {  	s26 =	smul.u32 $0xC00, s8;
	s24 =	sadd.s32 $0xF00, s24;
	s25 =	sadd.s32 s3, s25  }
0xa2: {  	[tilespmem:s24], [sflag:$0x2] =	stream.linear.gather [hbm4b:s25+s2], $0x80, $0x38;
	[tilespmem:$0x1E000] =	vst v63  }
0xa3: {  	s8 =	spop (v2sf);
	s4 =	sshrl.u32 s26, $0x2  }
0xa4: {  	s25 =	sand.u32 $0x1FFFFFF0, s8;
	s24 =	sadd.s32 s4, s23  }
0xa5: {  	s26 =	simm.s32 $0x1;
	s25 =	sadd.s32 s3, s25;
	s24 =	sadd.s32 $0xF80, s24  }
0xa6: {  	[tilespmem:s24], [sflag:$0x2] =	stream.linear.gather [hbm4b:s25+s2], $0x80, $0x38;
	[tilespmem:$0x1E000] =	vst v63  }
0xa7: {  	s28 =	sadd.s32 $0x100, s28;
	_ =	swait.ge [sflag:s26], $0x800  }
0xa8: {  	s24 =	sand.u32 $0x1C00, s28;
	s25 =	rddreg [dreg:$0x13]  }
0xa9: {  	s24 =	sadd.s32 s24, s5;
	[sflag:s26] =	ssyncset.done $0x0;
	s8 =	sand.u32 $0x60, s25  }
0xaa: {  	[sflag:s26] =	ssyncadd.s32 $0xFFFFF800;
	s24 =	sadd.s32 s8, s24  }
0xab: {  	v1 =	vld.idx.msk [tilespmem:v0+s24+$0x0 ss:$0x1], $0xffff;
	_ =	sdelay $0x4  }
0xac: {  	v1 =	vshll.u32 v1, $0x4  }
0xad: {  	(v2sf) =	vpush v1, $0x0;
	_ =	sdelay $0x1  }
0xae: {  	(v2sf) =	vpush v1, $0x1;
	_ =	sdelay $0x4  }
0xaf: {  	(v2sf) =	vpush v1, $0x2  }
0xb0: {  	(v2sf) =	vpush v1, $0x3;
	_ =	sdelay $0x2  }
0xb1: {  	s4 =	sshrl.u32 s1, $0x12  }
0xb2: {  	s8 =	sshrl.u32 s31, $0x12;
	s24 =	smul.u32 $0xC00, s4  }
0xb3: {  	s11 =	sadd.s32 $0x28F60, s11;
	s26 =	smul.u32 $0xC00, s8  }
0xb4: {  	s7 =	sadd.s32 $0x28F60, s7;
	s8 =	sshrl.u32 s30, $0x12;
	s24 =	sshrl.u32 s24, $0x2  }
0xb5: {  	s4 =	sshrl.u32 s26, $0x2;
	s26 =	smul.u32 $0xC00, s8;
	s5 =	spop (v2sf);
	(v2sf) =	vpush v1, $0x4  }
0xb6: {  	s8 =	sshrl.u32 s0, $0x12;
	s24 =	sadd.s32 s24, s23;
	s25 =	sand.u32 $0x1FFFFFF0, s5  }
0xb7: {  	s24 =	sadd.s32 $0x1000, s24;
	s5 =	spop (v2sf);
	(v2sf) =	vpush v1, $0x5;
	s25 =	sadd.s32 s3, s25  }
0xb8: {  	[tilespmem:s24], [sflag:$0x1] =	stream.linear.gather [hbm4b:s25+s2], $0x80, $0x38;
	[tilespmem:$0x1E000] =	vst v63  }
0xb9: {  	s24 =	sadd.s32 s4, s23;
	s25 =	sand.u32 $0x1FFFFFF0, s5;
	s4 =	sshrl.u32 s26, $0x2  }
0xba: {  	s26 =	smul.u32 $0xC00, s8;
	s24 =	sadd.s32 $0x1080, s24;
	s25 =	sadd.s32 s3, s25  }
0xbb: {  	[tilespmem:s24], [sflag:$0x1] =	stream.linear.gather [hbm4b:s25+s2], $0x80, $0x38;
	[tilespmem:$0x1E000] =	vst v63  }
0xbc: {  	s5 =	spop (v2sf);
	(v2sf) =	vpush v1, $0x6;
	s8 =	sshrl.u32 s18, $0x12;
	s24 =	sadd.s32 s4, s23  }
0xbd: {  	s25 =	sand.u32 $0x1FFFFFF0, s5;
	s4 =	sshrl.u32 s26, $0x2;
	s5 =	spop (v2sf);
	(v2sf) =	vpush v1, $0x7  }
0xbe: {  	s26 =	smul.u32 $0xC00, s8;
	s24 =	sadd.s32 $0x1100, s24;
	s25 =	sadd.s32 s3, s25  }
0xbf: {  	[tilespmem:s24], [sflag:$0x1] =	stream.linear.gather [hbm4b:s25+s2], $0x80, $0x38;
	[tilespmem:$0x1E000] =	vst v63  }
0xc0: {  	s16 =	sadd.s32 $0x28F60, s16;
	s8 =	sshrl.u32 s17, $0x12;
	s24 =	sadd.s32 s4, s23  }
0xc1: {  	s25 =	sand.u32 $0x1FFFFFF0, s5;
	s4 =	sshrl.u32 s26, $0x2;
	s26 =	smul.u32 $0xC00, s8  }
0xc2: {  	s8 =	sshrl.u32 s22, $0x12;
	s24 =	sadd.s32 $0x1180, s24;
	s25 =	sadd.s32 s3, s25  }
0xc3: {  	[tilespmem:s24], [sflag:$0x1] =	stream.linear.gather [hbm4b:s25+s2], $0x80, $0x38;
	[tilespmem:$0x1E000] =	vst v63  }
0xc4: {  	s24 =	sadd.s32 s4, s23;
	s4 =	sshrl.u32 s26, $0x2;
	s5 =	spop (v2sf);
	(v2sf) =	vpush v1, $0x8  }
0xc5: {  	s26 =	smul.u32 $0xC00, s8;
	s8 =	sshrl.u32 s21, $0x12;
	s25 =	sand.u32 $0x1FFFFFF0, s5  }
0xc6: {  	s24 =	sadd.s32 $0x1200, s24;
	s5 =	spop (v2sf);
	(v2sf) =	vpush v1, $0x9;
	s25 =	sadd.s32 s3, s25  }
0xc7: {  	[tilespmem:s24], [sflag:$0x1] =	stream.linear.gather [hbm4b:s25+s2], $0x80, $0x38;
	[tilespmem:$0x1E000] =	vst v63  }
0xc8: {  	s24 =	sadd.s32 s4, s23;
	s25 =	sand.u32 $0x1FFFFFF0, s5;
	s4 =	sshrl.u32 s26, $0x2  }
0xc9: {  	s26 =	smul.u32 $0xC00, s8;
	s24 =	sadd.s32 $0x1280, s24;
	s25 =	sadd.s32 s3, s25  }
0xca: {  	[tilespmem:s24], [sflag:$0x1] =	stream.linear.gather [hbm4b:s25+s2], $0x80, $0x38;
	[tilespmem:$0x1E000] =	vst v63  }
0xcb: {  	s5 =	spop (v2sf);
	(v2sf) =	vpush v1, $0xA;
	s8 =	sshrl.u32 s20, $0x12;
	s24 =	sadd.s32 s4, s23  }
0xcc: {  	s25 =	sand.u32 $0x1FFFFFF0, s5;
	s4 =	sshrl.u32 s26, $0x2;
	s5 =	spop (v2sf);
	(v2sf) =	vpush v1, $0xB  }
0xcd: {  	s26 =	smul.u32 $0xC00, s8;
	s24 =	sadd.s32 $0x1300, s24;
	s25 =	sadd.s32 s3, s25  }
0xce: {  	[tilespmem:s24], [sflag:$0x1] =	stream.linear.gather [hbm4b:s25+s2], $0x80, $0x38;
	[tilespmem:$0x1E000] =	vst v63  }
0xcf: {  	[dreg:$0xc] =	wrdreg s28;
	s8 =	sshrl.u32 s19, $0x12;
	s24 =	sadd.s32 s4, s23  }
0xd0: {  	s25 =	sand.u32 $0x1FFFFFF0, s5;
	s4 =	sshrl.u32 s26, $0x2;
	s26 =	smul.u32 $0xC00, s8  }
0xd1: {  	s8 =	sshrl.u32 s15, $0x12;
	s24 =	sadd.s32 $0x1380, s24;
	s25 =	sadd.s32 s3, s25  }
0xd2: {  	[tilespmem:s24], [sflag:$0x1] =	stream.linear.gather [hbm4b:s25+s2], $0x80, $0x38;
	[tilespmem:$0x1E000] =	vst v63  }
0xd3: {  	s24 =	sadd.s32 s4, s23;
	s4 =	sshrl.u32 s26, $0x2;
	s5 =	spop (v2sf)  }
0xd4: {  	s26 =	smul.u32 $0xC00, s8;
	s8 =	sshrl.u32 s9, $0x12;
	s25 =	sand.u32 $0x1FFFFFF0, s5  }
0xd5: {  	s24 =	sadd.s32 $0x1400, s24;
	(v2sf) =	vpush v1, $0xC;
	s5 =	spop (v2sf);
	s25 =	sadd.s32 s3, s25  }
0xd6: {  	[tilespmem:s24], [sflag:$0x1] =	stream.linear.gather [hbm4b:s25+s2], $0x80, $0x38;
	[tilespmem:$0x1E000] =	vst v63  }
0xd7: {  	s24 =	sadd.s32 s4, s23;
	s25 =	sand.u32 $0x1FFFFFF0, s5;
	s4 =	sshrl.u32 s26, $0x2  }
0xd8: {  	s26 =	smul.u32 $0xC00, s8;
	s24 =	sadd.s32 $0x1480, s24;
	s25 =	sadd.s32 s3, s25  }
0xd9: {  	(v2sf) =	vpush v1, $0xD;
	[tilespmem:s24], [sflag:$0x1] =	stream.linear.gather [hbm4b:s25+s2], $0x80, $0x38;
	[tilespmem:$0x1E000] =	vst v63  }
0xda: {  	s5 =	spop (v2sf);
	s8 =	sshrl.u32 s10, $0x12;
	s24 =	sadd.s32 s4, s23  }
0xdb: {  	s25 =	sand.u32 $0x1FFFFFF0, s5;
	s4 =	sshrl.u32 s26, $0x2;
	s5 =	spop (v2sf)  }
0xdc: {  	s26 =	smul.u32 $0xC00, s8;
	s24 =	sadd.s32 $0x1500, s24;
	s25 =	sadd.s32 s3, s25  }
0xdd: {  	(v2sf) =	vpush v1, $0xE;
	[tilespmem:s24], [sflag:$0x1] =	stream.linear.gather [hbm4b:s25+s2], $0x80, $0x38;
	[tilespmem:$0x1E000] =	vst v63  }
0xde: {  	s24 =	sadd.s32 s4, s23;
	s25 =	sand.u32 $0x1FFFFFF0, s5;
	s4 =	sshrl.u32 s26, $0x2  }
0xdf: {  	s5 =	smov.u32 s1;
	s1 =	smov.u32 s31;
	s31 =	smov.u32 s30  }
0xe0: {  	s30 =	smov.u32 s0;
	s0 =	smov.u32 s22;
	s22 =	smov.u32 s21  }
0xe1: {  	(v2sf) =	vpush v1, $0xF;
	s21 =	smov.u32 s20;
	s20 =	smov.u32 s19;
	s19 =	smov.u32 s15  }
0xe2: {  	s15 =	smov.u32 s9;
	s24 =	sadd.s32 $0x1580, s24;
	s25 =	sadd.s32 s3, s25  }
0xe3: {  	[tilespmem:s24], [sflag:$0x1] =	stream.linear.gather [hbm4b:s25+s2], $0x80, $0x38;
	[tilespmem:$0x1E000] =	vst v63  }
0xe4: {  	s9 =	smov.u32 s10;
	s10 =	rddreg [dreg:$0x11];
	s24 =	spop (v2sf)  }
0xe5: {  	s8 =	sshrl.u32 s10, $0x12;
	s25 =	sadd.s32 s4, s23;
	s24 =	sand.u32 $0x1FFFFFF0, s24  }
0xe6: {  	s26 =	smul.u32 $0xC00, s8;
	s25 =	sadd.s32 $0x1600, s25;
	s24 =	sadd.s32 s3, s24  }
0xe7: {  	[tilespmem:s25], [sflag:$0x1] =	stream.linear.gather [hbm4b:s24+s2], $0x80, $0x38;
	[tilespmem:$0x1E000] =	vst v63  }
0xe8: {  	s28 =	rddreg [dreg:$0x10];
	s4 =	sshrl.u32 s26, $0x2;
	s24 =	spop (v2sf)  }
0xe9: {  	s8 =	sshrl.u32 s28, $0x12;
	s25 =	sadd.s32 s4, s23;
	s24 =	sand.u32 $0x1FFFFFF0, s24  }
0xea: {  	s26 =	smul.u32 $0xC00, s8;
	s25 =	sadd.s32 $0x1680, s25;
	s24 =	sadd.s32 s3, s24  }
0xeb: {  	[tilespmem:s25], [sflag:$0x1] =	stream.linear.gather [hbm4b:s24+s2], $0x80, $0x38;
	[tilespmem:$0x1E000] =	vst v63  }
0xec: {  	s8 =	rddreg [dreg:$0x12];
	s26 =	sshrl.u32 s26, $0x2;
	s24 =	spop (v2sf)  }
0xed: {  	s4 =	sshrl.u32 s8, $0x12;
	s25 =	sadd.s32 s26, s23;
	s24 =	sand.u32 $0x1FFFFFF0, s24  }
0xee: {  	s26 =	smul.u32 $0xC00, s4;
	s25 =	sadd.s32 $0x1700, s25;
	s24 =	sadd.s32 s3, s24  }
0xef: {  	[tilespmem:s25], [sflag:$0x1] =	stream.linear.gather [hbm4b:s24+s2], $0x80, $0x38;
	[tilespmem:$0x1E000] =	vst v63  }
0xf0: {  	s29 =	sadd.s32 $0x28F60, s29;
	s4 =	spop (v2sf);
	s25 =	sshrl.u32 s26, $0x2  }
0xf1: {  	s26 =	rddreg [dreg:$0xf];
	s24 =	sadd.s32 s25, s23;
	s25 =	sand.u32 $0x1FFFFFF0, s4  }
0xf2: {  	s4 =	simm.s32 $0x2;
	s24 =	sadd.s32 $0x1780, s24;
	s25 =	sadd.s32 s3, s25  }
0xf3: {  	[tilespmem:s24], [sflag:$0x1] =	stream.linear.gather [hbm4b:s25+s2], $0x80, $0x38;
	[tilespmem:$0x1E000] =	vst v63  }
0xf4: {  	s12 =	sadd.s32 $0x28F60, s12;
	_ =	swait.ge [sflag:s4], $0x800;
	[dreg:$0xd] =	wrdreg s29  }
0xf5: {  	s14 =	sadd.s32 $0x28F60, s14;
	s13 =	sadd.s32 $0x28F60, s13;
	[dreg:$0x14] =	wrdreg s12  }
0xf6: {  	s6 =	sadd.s32 $0x28F60, s6;
	s18 =	sadd.s32 $0x28F60, s18;
	[dreg:$0x15] =	wrdreg s13  }
0xf7: {  	s17 =	sadd.s32 $0x28F60, s17;
	s10 =	sadd.s32 $0x28F60, s10;
	[dreg:$0x16] =	wrdreg s6  }
0xf8: {  	s9 =	smov.u32 s9;
	s15 =	smov.u32 s15;
	[dreg:$0x17] =	wrdreg s14  }
0xf9: {  	s19 =	smov.u32 s19;
	s20 =	smov.u32 s20;
	[dreg:$0x18] =	wrdreg s16  }
0xfa: {  	p0 =	sne.s32 s8, $0x1FEBB5;
	s8 =	sadd.s32 $0x28F60, s8;
	[dreg:$0x11] =	wrdreg s10  }
0xfb: {  	s21 =	smov.u32 s21;
	s22 =	smov.u32 s22;
	[dreg:$0x12] =	wrdreg s8  }
0xfc: {  	s0 =	smov.u32 s0;
	s28 =	sadd.s32 $0x28F60, s28;
	s24 =	rddreg [dreg:$0x13]  }
0xfd: {  	s23 =	sadd.s32 $0x1000, s23;
	s26 =	sadd.s32 $0x28F60, s26;
	s29 =	rddreg [dreg:$0xe]  }
0xfe: {  	s10 =	sadd.s32 $0x28F60, s9;
	s9 =	sadd.s32 $0x28F60, s15;
	s14 =	rddreg [dreg:$0x1e]  }
0xff: {  	s15 =	sadd.s32 $0x28F60, s19;
	s19 =	sadd.s32 $0x28F60, s20;
	s16 =	rddreg [dreg:$0x1d]  }
0x100: {  	s20 =	sadd.s32 $0x28F60, s21;
	s21 =	sadd.s32 $0x28F60, s22;
	s25 =	rddreg [dreg:$0x1c]  }
0x101: {  	s22 =	sadd.s32 $0x28F60, s0;
	[sflag:s4] =	ssyncset.done $0x0;
	s13 =	rddreg [dreg:$0x1b]  }
0x102: {  	[sflag:s4] =	ssyncadd.s32 $0xFFFFF800;
	s29 =	sadd.s32 $0x28F60, s29;
	s12 =	sadd.s32 $0x28F60, s14  }
.Ltmp0:
0x103: {  	s4 =	sadd.s32 $0x28F60, s16;
	s14 =	rddreg [dreg:$0x1a];
	(pc) =	sbr.rel @p0 .LBB2_3-.Ltmp0, $4  }
0x104: {  	s6 =	sadd.s32 $0x28F60, s25;
	s16 =	sadd.s32 $0x28F60, s13;
	s25 =	rddreg [dreg:$0x19]  }
0x105: {  	s24 =	sadd.s32 $0x20, s24;
	s13 =	sadd.s32 $0x28F60, s14;
	s14 =	sadd.s32 $0x28F60, s25  }
0x106: {  	s25 =	smov.u32 s30;
	s30 =	smov.u32 s31;
	s31 =	sadd.s32 $0x28F60, s1  }
0x107: {  	s1 =	sadd.s32 $0x28F60, s5;
	s0 =	sadd.s32 $0x28F60, s25;
	s30 =	sadd.s32 $0x28F60, s30  }
0x108: {  	s5 =	rddreg [dreg:$0x8]  }
0x109: {  	s1 =	rddreg [dreg:$0x5];
	s16 =	simm.s32 $0x1;
	s0 =	sshll.u32 s5, $0x3  }
0x10a: {  	_ =	swait.ge [sflag:s16], $0x800;
	s0 =	sadd.s32 s1, s0  }
0x10b: {  	s17 =	rddreg [dreg:$0x3];
	s0 =	smul.u32 $0x380, s0  }
0x10c: {  	[sflag:s16] =	ssyncset.done $0x0;
	s18 =	rddreg [dreg:$0xb]  }
0x10d: {  	s6 =	rddreg [dreg:$0x9];
	[sflag:s16] =	ssyncadd.s32 $0xFFFFF800;
	s0 =	sadd.s32 s17, s0  }
0x10e: {  	[hbm4b:s0+s2] =	stream.linear.scatter [tilespmem:s18], [sflag:$0x3], $0x1900, $0x38;
	[tilespmem:$0x1E000] =	vst v63  }
0x10f: {  	s19 =	sadd.s32 $0x3C00, s6;
	s4 =	sadd.s32 $0x380, s0  }
0x110: {  	[hbm4b:s4+s2] =	stream.linear.scatter [tilespmem:s19], [sflag:$0x3], $0x1900, $0x38;
	[tilespmem:$0x1E000] =	vst v63  }
0x111: {  	s20 =	sadd.s32 $0x5800, s6;
	s21 =	sadd.s32 $0x700, s0  }
0x112: {  	[hbm4b:s21+s2] =	stream.linear.scatter [tilespmem:s20], [sflag:$0x3], $0x1900, $0x38;
	[tilespmem:$0x1E000] =	vst v63  }
0x113: {  	s22 =	sadd.s32 $0x7400, s6;
	s23 =	sadd.s32 $0xA80, s0  }
0x114: {  	[hbm4b:s23+s2] =	stream.linear.scatter [tilespmem:s22], [sflag:$0x3], $0x1900, $0x38;
	[tilespmem:$0x1E000] =	vst v63  }
0x115: {  	s5 =	sadd.s32 $0x1, s5;
	s24 =	sadd.s32 $0x9000, s6;
	s25 =	sadd.s32 $0xE00, s0  }
0x116: {  	[hbm4b:s25+s2] =	stream.linear.scatter [tilespmem:s24], [sflag:$0x3], $0x1900, $0x38;
	[tilespmem:$0x1E000] =	vst v63  }
0x117: {  	p0 =	sne.s32 s5, $0x10;
	s26 =	sadd.s32 $0xAC00, s6;
	s28 =	sadd.s32 $0x1180, s0  }
0x118: {  	[hbm4b:s28+s2] =	stream.linear.scatter [tilespmem:s26], [sflag:$0x3], $0x1900, $0x38;
	[tilespmem:$0x1E000] =	vst v63  }
.Ltmp1:
0x119: {  	_ = 	snop;
	(pc) =	sbr.rel @p0 .LBB2_2-.Ltmp1, $4  }
0x11a: {  	s29 =	sadd.s32 $0xC800, s6;
	s30 =	sadd.s32 $0x1500, s0  }
0x11b: {  	[hbm4b:s30+s2] =	stream.linear.scatter [tilespmem:s29], [sflag:$0x3], $0x1900, $0x38;
	[tilespmem:$0x1E000] =	vst v63  }
0x11c: {  	s31 =	sadd.s32 $0xE400, s6;
	s0 =	sadd.s32 $0x1880, s0  }
0x11d: {  	[hbm4b:s0+s2] =	stream.linear.scatter [tilespmem:s31], [sflag:$0x3], $0x1900, $0x38;
	[tilespmem:$0x1E000] =	vst v63  }
0x11e: {  	s1 =	simm.s32 $0x3  }
0x11f: {  	_ =	swait.ge [sflag:s1], $0xC800  }
0x120: {  	[sflag:s1] =	ssyncset.done $0x0  }
0x121: {  	[sflag:s1] =	ssyncadd.s32 $0xFFFF3800  }
0x122: {  	_ =	swait.ge [sflag:s1], $0xC800  }
0x123: {  	s4 =	rddreg [dreg:$0x7]  }
0x124: {  	s0 =	rddreg [dreg:$0x6];
	s4 =	sadd.s32 $0x1, s4  }
0x125: {  	p0 =	sne.s32 s4, s0  }
.Ltmp2:
0x126: {  	_ = 	snop;
	(pc) =	sbr.rel @p0 .LBB2_1-.Ltmp2, $3  }
0x127: {  	_ =	sdelay $0x1  }
0x128: {  	[sflag:s1] =	ssyncset.done $0x0  }
0x129: {  	[sflag:s1] =	ssyncadd.s32 $0xFFFF3800  }
0x12a: {  	_ =	sfence.sel $0x180000  }
0x12b: {  	[bflag:$0x0] =	sbarrier.arrive $0xFFFF  }
0x12c: {  	_ =	strace $0x90000047  }
0x12d: {  	s0 =	stileid.u32;
	[bflag:$0x2] =	sbarrier.arrive $0xFFFF  }
0x12e: {  	p0 =	sne.s32 s0, $0x0;
	s0 =	rddreg [dreg:$0x2]  }
0x12f: {  	s0 =	sadd.s32 @!p0 $0x100000, s0  }
0x130: {  	[sflag:s0] =	ssyncadd.tile.s32 @!p0 $0x1;
	_ =	shalt  }
.Lfunc_end2:
_tile_overlayer_lowered:
.L_overlay_start_2:
0x131: {  	(tag) =	ssettag $0x2  }
0x132: {  	s0 =	rddreg [dreg:$0x0];
	s2 =	stileid.u32  }
0x133: {  	s1 =	rddreg [dreg:$0x1];
	p0 =	sne.s32 s2, $0x0  }
0x134: {  	s3 =	rddreg [dreg:$0x2];
	[bflag:$0x3] =	sbarrier.arrive $0xFFFF;
	s2 =	simm.s32 @!p0 $0x1C04  }
0x135: {  	[timem:s3], [sflag:s2] =	dma.local @!p0 [hbm:s0], s1  }
0x136: {  	s0 =	simm.s32 @!p0 $0x4  }
0x137: {  	_ =	swait.ge @!p0 [sflag:s0], s1  }
0x138: {  	s1 =	ssub.s32 @!p0 $0x0, s1;
	[sflag:s0] =	ssyncset.done @!p0 $0x0  }
0x139: {  	[sflag:s0] =	ssyncadd.s32 @!p0 s1  }
0x13a: {  	[bflag:$0x3] =	sbarrier.arrive $0xFFFF  }
0x13b: {  	_ =	shalt  }

</sc_bundles>
